<compile_context>
chip_gen: v7x
topology: tpu7x:2x2x1
jax: 0.10.2.dev20260603
libtpu: 0.0.44.dev20260713+nightly
codegen_flags: <defaults>
</compile_context>

<pallas_src>
import functools

import jax
import jax.numpy as jnp
from jax import lax
from jax.experimental import pallas as pl
from jax.experimental.pallas import tpu as pltpu
from jax.experimental.pallas import tpu_sc as plsc

N_POINTS = 100000
CIN = 64
COUT = 64
NK = 16
BEV_H = 256
BEV_W = 256
BATCH = 4
NROWS = BATCH * BEV_H * BEV_W

NC = 2
NS = 16

N_PAD = 114688
P_TILE = N_PAD // NS
BLK = 512
NBLK = P_TILE // BLK

CHUNK = 32768
NCHUNKS = 8
NCPC = NCHUNKS // NC
ROWS_PER_TILE = CHUNK // NS

MM_BLK = 1024
MM_GRID = N_PAD // MM_BLK
MM_LAST = (N_POINTS - 1) // MM_BLK


def _matmul_tc(features, kidx, x0, x1, b, kern2):

    def body(feat_ref, kidx_ref, x0_ref, x1_ref, b_ref, kern_ref,
             sf_ref, flat_ref):
        i = pl.program_id(0)
        feat = feat_ref[...].astype(jnp.bfloat16)
        kidx = kidx_ref[...].reshape(MM_BLK, 1)
        ks = lax.broadcasted_iota(jnp.int32, (1, NK), 1)
        oh = (kidx == ks).astype(jnp.bfloat16)
        r1 = lax.broadcasted_iota(jnp.int32, (NK, NK * CIN), 0)
        r2 = lax.broadcasted_iota(jnp.int32, (NK, NK * CIN), 1) // CIN
        expander = (r1 == r2).astype(jnp.bfloat16)
        ohbig = jnp.dot(oh, expander,
                        preferred_element_type=jnp.float32
                        ).astype(jnp.bfloat16)
        big = jnp.concatenate([feat] * NK, axis=1) * ohbig
        sf_ref[...] = jnp.dot(big, kern_ref[...],
                              preferred_element_type=jnp.float32
                              ).astype(jnp.bfloat16)
        rowid = i * MM_BLK + lax.broadcasted_iota(jnp.int32, (MM_BLK,), 0)
        flat = (b_ref[...] * (BEV_H * BEV_W)
                + x0_ref[...] * BEV_W + x1_ref[...])
        flat_ref[...] = jnp.where(rowid < N_POINTS, flat, -1)

    def pt_map(i):
        return (jnp.minimum(i, MM_LAST), 0)

    int_spec = pl.BlockSpec((MM_BLK,), lambda i: (jnp.minimum(i, MM_LAST),))
    sf, flat2 = pl.pallas_call(
        body,
        grid=(MM_GRID,),
        in_specs=[
            pl.BlockSpec((MM_BLK, CIN), pt_map),
            int_spec, int_spec, int_spec, int_spec,
            pl.BlockSpec((NK * CIN, COUT), lambda i: (0, 0)),
        ],
        out_specs=[
            pl.BlockSpec((MM_BLK, COUT), lambda i: (i, 0)),
            pl.BlockSpec((MM_BLK,), lambda i: (i,)),
        ],
        out_shape=[
            jax.ShapeDtypeStruct((N_PAD, COUT), jnp.bfloat16),
            jax.ShapeDtypeStruct((N_PAD,), jnp.int32),
        ],
    )(features, kidx, x0, x1, b, kern2)
    return sf, flat2


def _scatter_sc(rows, flat, zeros_hbm):
    mesh = plsc.VectorSubcoreMesh(
        core_axis_name="c", subcore_axis_name="s",
        num_cores=NC, num_subcores=NS)

    @functools.partial(
        pl.kernel,
        out_type=jax.ShapeDtypeStruct((NCHUNKS * CHUNK, COUT), jnp.bfloat16),
        mesh=mesh,
        compiler_params=pltpu.CompilerParams(use_tc_tiling_on_sc=False),
        scratch_types=[
            pltpu.VMEM((P_TILE,), jnp.int32),
            pltpu.VMEM((BLK, COUT), jnp.bfloat16),
            pltpu.VMEM((BLK, COUT), jnp.bfloat16),
            pltpu.VMEM((BLK,), jnp.int32),
            pltpu.VMEM((BLK,), jnp.int32),
            pltpu.VMEM_SHARED((CHUNK + 8, COUT), jnp.bfloat16),
            pltpu.SemaphoreType.DMA,
            pltpu.SemaphoreType.DMA,
            pltpu.SemaphoreType.DMA,
            pltpu.SemaphoreType.DMA,
        ],
    )
    def k(rows_hbm, flat_hbm, zsrc_hbm, bev_hbm, idx_v, rows0, rows1,
          lidx0, lidx1, acc, lsem0, lsem1, ssem0, ssem1):
        cid = lax.axis_index("c")
        sid = lax.axis_index("s")
        base_pt = sid * P_TILE
        rows_b = (rows0, rows1)
        lidx_b = (lidx0, lidx1)
        lsem_b = (lsem0, lsem1)
        ssem_b = (ssem0, ssem1)

        pltpu.sync_copy(flat_hbm.at[pl.ds(base_pt, P_TILE)], idx_v)

        def per_chunk(p, carry):
            chunk_id = cid * NCPC + p
            chunk_base = chunk_id * CHUNK

            pltpu.sync_copy(
                zsrc_hbm,
                acc.at[pl.ds(sid * ROWS_PER_TILE, ROWS_PER_TILE), :])
            plsc.subcore_barrier()

            loads = [None, None]
            scats = [None, None]
            loads[0] = pltpu.async_copy(
                rows_hbm.at[pl.ds(base_pt, BLK), :], rows0, lsem0)
            for bkt in range(NBLK):
                bb = bkt & 1
                nb = 1 - bb
                if bkt + 1 < NBLK:
                    if scats[nb] is not None:
                        scats[nb].wait()
                        scats[nb] = None
                    loads[nb] = pltpu.async_copy(
                        rows_hbm.at[pl.ds(base_pt + (bkt + 1) * BLK, BLK), :],
                        rows_b[nb], lsem_b[nb])
                loads[bb].wait()

                def sub_body(i2, c, _bkt=bkt, _bb=bb):
                    off = _bkt * BLK + i2 * 16
                    v = idx_v[pl.ds(off, 16)]
                    loc = v - chunk_base
                    ok = (loc >= 0) & (loc < CHUNK)
                    loc = jnp.where(ok, loc, CHUNK)
                    lidx_b[_bb][pl.ds(i2 * 16, 16)] = loc
                    return c
                lax.fori_loop(0, BLK // 16, sub_body, 0)
                if scats[bb] is not None:
                    scats[bb].wait()
                scats[bb] = pltpu.async_copy(
                    rows_b[bb], acc.at[lidx_b[bb]], ssem_b[bb], add=True)
            for s in scats:
                if s is not None:
                    s.wait()
            plsc.subcore_barrier()

            pltpu.sync_copy(
                acc.at[pl.ds(sid * ROWS_PER_TILE, ROWS_PER_TILE), :],
                bev_hbm.at[pl.ds(chunk_base + sid * ROWS_PER_TILE,
                                 ROWS_PER_TILE), :])
            plsc.subcore_barrier()
            return carry

        lax.fori_loop(0, NCPC, per_chunk, 0)

    return k(rows, flat, zeros_hbm)


def _transpose_tc(bev):
    HW = BEV_H * BEV_W
    TB = 4096
    SH = TB // BEV_W

    def body(in_ref, out_ref):
        x = in_ref[...].astype(jnp.float32).T
        out_ref[...] = x.reshape(1, COUT, SH, BEV_W)

    return pl.pallas_call(
        body,
        grid=(BATCH, HW // TB),
        in_specs=[pl.BlockSpec((TB, COUT),
                               lambda b, i: (b * (HW // TB) + i, 0))],
        out_specs=pl.BlockSpec((1, COUT, SH, BEV_W),
                               lambda b, i: (b, 0, i, 0)),
        out_shape=jax.ShapeDtypeStruct((BATCH, COUT, BEV_H, BEV_W),
                                       jnp.float32),
    )(bev)


def kernel(features, coords_d0, coords_d1, coords_d2, coords_b, stride,
           kernel):
    kidx = (coords_d1 // stride).astype(jnp.int32)
    x0 = (coords_d0 // stride).astype(jnp.int32)
    x1 = (coords_d2 // stride).astype(jnp.int32)
    b = coords_b.astype(jnp.int32)
    kern2 = kernel.reshape(NK * CIN, COUT).astype(jnp.bfloat16)

    sf, flat = _matmul_tc(features, kidx, x0, x1, b, kern2)

    zeros_hbm = jnp.zeros((ROWS_PER_TILE, COUT), jnp.bfloat16)
    bev = _scatter_sc(sf, flat, zeros_hbm)

    return _transpose_tc(bev)

# --- scband reference (transcript-rebuilt; emitter-appended) ---
"""Pipeline reference for scband-to-dense-bevconvolution-14594298871921 (READ-ONLY COPY).

The authoritative reference and input builder live on the scoring server;
editing this copy changes nothing except your own understanding.
"""

import jax, jax.numpy as jnp
import numpy as np
import math

N = 100000
CIN = 64
COUT = 64
N_KERNELS = 16
BEV_H = 256
BEV_W = 256

def setup_inputs(seed: int = 0) -> dict:
    key = jax.random.key(seed)
    k1, k2, k3, k4, k5, k6 = jax.random.split(key, 6)
    features = jax.random.normal(k1, (N, CIN), dtype=jnp.float32)
    coords_d0 = jax.random.randint(k2, (N,), 0, BEV_H, dtype=jnp.int32)
    coords_d1 = jax.random.randint(k3, (N,), 0, N_KERNELS, dtype=jnp.int32)
    coords_d2 = jax.random.randint(k4, (N,), 0, BEV_W, dtype=jnp.int32)
    coords_b = jax.random.randint(k5, (N,), 0, 4, dtype=jnp.int32)
    std = 1.0 / math.sqrt(CIN)
    kernel = jax.random.uniform(k6, (N_KERNELS, CIN, COUT), dtype=jnp.float32, minval=-std, maxval=std)
    stride = 1
    return {"features": features, "coords_d0": coords_d0, "coords_d1": coords_d1, "coords_d2": coords_d2, "coords_b": coords_b, "stride": stride, "kernel": kernel}

def reference(features, coords_d0, coords_d1, coords_d2, coords_b, stride, kernel):
    # per-point kernel selection by z (height) coordinate
    kidx = coords_d1 // stride
    kernels = jnp.take(kernel, kidx, axis=0)  # [N, CIN, COUT]
    # sparse_features = (features.unsqueeze(-1) * kernels).sum(1)
    sparse_features = jnp.sum(features[:, :, None] * kernels, axis=1)  # [N, COUT]
    # flatten (batch, d0, d2) -> dense BEV index
    b = coords_b.astype(jnp.int32)
    x0 = (coords_d0 // stride).astype(jnp.int32)
    x1 = (coords_d2 // stride).astype(jnp.int32)
    batch_size = 4
    flat = b * (BEV_H * BEV_W) + x0 * BEV_W + x1
    bev = jnp.zeros((batch_size * BEV_H * BEV_W, COUT), dtype=jnp.float32).at[flat].add(sparse_features)
    out = bev.reshape(batch_size, BEV_H, BEV_W, COUT).transpose(0, 3, 1, 2)
    return out

if __name__ == "__main__":
    import jax
    _d = setup_inputs()
    print(jax.jit(kernel)(*tuple(_d.values())))

</pallas_src>

<mosaic_0001>
#map = affine_map<(d0, d1) -> (0, 0)>
#map1 = affine_map<(d0, d1) -> (0)>
module attributes {stable_mosaic.version = 14 : i64} {
  func.func @k(%arg0: i32, %arg1: i32, %arg2: memref<114688x64xbf16, #tpu.memory_space<hbm>>, %arg3: memref<114688xi32, #tpu.memory_space<hbm>>, %arg4: memref<2048x64xbf16, #tpu.memory_space<hbm>>, %arg5: memref<262144x64xbf16, #tpu.memory_space<hbm>>, %arg6: memref<7168xi32, #tpu.memory_space<vmem>>, %arg7: memref<512x64xbf16, #tpu.memory_space<vmem>>, %arg8: memref<512x64xbf16, #tpu.memory_space<vmem>>, %arg9: memref<512xi32, #tpu.memory_space<vmem>>, %arg10: memref<512xi32, #tpu.memory_space<vmem>>, %arg11: memref<32776x64xbf16, #tpu.memory_space<vmem_shared>>, %arg12: memref<!tpu.dma_semaphore, #tpu.memory_space<semaphore_mem>>, %arg13: memref<!tpu.dma_semaphore, #tpu.memory_space<semaphore_mem>>, %arg14: memref<!tpu.dma_semaphore, #tpu.memory_space<semaphore_mem>>, %arg15: memref<!tpu.dma_semaphore, #tpu.memory_space<semaphore_mem>>) attributes {dimension_semantics = [#tpu.dimension_semantics<core_parallel>, #tpu.dimension_semantics<subcore_parallel>], iteration_bounds = array<i64: 2, 16>, scalar_prefetch = 0 : i64, scratch_operands = 10 : i64, tpu.core_type = #tpu.core_type<sc_vector_subcore>, window_params = [{transform_indices = #map}, {transform_indices = #map1}, {transform_indices = #map}, {transform_indices = #map}]} {
    %mul3A = arith.constant 7168 : i32
    %mul3A_0 = arith.muli %arg1, %mul3A : i32
    "tpu.region"() ({
      %run_scoped3A = tpu.sem_alloc : memref<!tpu.dma_semaphore, #tpu.memory_space<semaphore_mem>>
      %dma_start3A = tpu.memref_slice %arg3[%mul3A_0] : memref<114688xi32, #tpu.memory_space<hbm>> -> memref<7168xi32, #tpu.memory_space<hbm>>
      %dma_start3A_6 = tpu.memref_slice %arg3[%mul3A_0] : memref<114688xi32, #tpu.memory_space<hbm>> -> memref<7168xi32, #tpu.memory_space<hbm>>
      tpu.enqueue_dma source(%dma_start3A_6 : memref<7168xi32, #tpu.memory_space<hbm>>) target(%arg6 : memref<7168xi32, #tpu.memory_space<vmem>>) target_semaphore(%run_scoped3A : memref<!tpu.dma_semaphore, #tpu.memory_space<semaphore_mem>>)
      %dma_wait3A = tpu.memref_slice %arg3[%mul3A_0] : memref<114688xi32, #tpu.memory_space<hbm>> -> memref<7168xi32, #tpu.memory_space<hbm>>
      %dma_wait3A_7 = tpu.memref_slice %arg3[%mul3A_0] : memref<114688xi32, #tpu.memory_space<hbm>> -> memref<7168xi32, #tpu.memory_space<hbm>>
      tpu.wait_dma2 semaphore(%run_scoped3A : memref<!tpu.dma_semaphore, #tpu.memory_space<semaphore_mem>>) src(%dma_wait3A_7 : memref<7168xi32, #tpu.memory_space<hbm>>) dst(%arg6 : memref<7168xi32, #tpu.memory_space<vmem>>)
      tpu.yield
    }) : () -> ()
    %scan3A = arith.constant 0 : i32
    %scan3A_1 = arith.constant 0 : i32
    %scan3A_2 = arith.constant 4 : i32
    %scan3A_3 = arith.addi %scan3A_1, %scan3A_2 : i32
    %scan3A_4 = arith.constant 1 : i32
    scf.for %scan3A_6 = %scan3A_1 to %scan3A_3 step %scan3A_4  : i32 {
      %mul3A_7 = arith.constant 4 : i32
      %mul3A_8 = arith.muli %arg0, %mul3A_7 : i32
      %add3A = arith.addi %mul3A_8, %scan3A_6 : i32
      %mul3A_9 = arith.constant 32768 : i32
      %mul3A_10 = arith.muli %add3A, %mul3A_9 : i32
      %mul3A_11 = arith.constant 2048 : i32
      %mul3A_12 = arith.muli %arg1, %mul3A_11 : i32
      "tpu.region"() ({
        %run_scoped3A = tpu.sem_alloc : memref<!tpu.dma_semaphore, #tpu.memory_space<semaphore_mem>>
        %dma_start3A_324 = arith.constant 0 : i32
        %dma_start3A_325 = tpu.memref_slice %arg11[%mul3A_12, %dma_start3A_324] : memref<32776x64xbf16, #tpu.memory_space<vmem_shared>> -> memref<2048x64xbf16, #tpu.memory_space<vmem_shared>>
        tpu.enqueue_dma source(%arg4 : memref<2048x64xbf16, #tpu.memory_space<hbm>>) target(%dma_start3A_325 : memref<2048x64xbf16, #tpu.memory_space<vmem_shared>>) target_semaphore(%run_scoped3A : memref<!tpu.dma_semaphore, #tpu.memory_space<semaphore_mem>>)
        %dma_wait3A_326 = arith.constant 0 : i32
        %dma_wait3A_327 = tpu.memref_slice %arg11[%mul3A_12, %dma_wait3A_326] : memref<32776x64xbf16, #tpu.memory_space<vmem_shared>> -> memref<2048x64xbf16, #tpu.memory_space<vmem_shared>>
        tpu.wait_dma2 semaphore(%run_scoped3A : memref<!tpu.dma_semaphore, #tpu.memory_space<semaphore_mem>>) src(%arg4 : memref<2048x64xbf16, #tpu.memory_space<hbm>>) dst(%dma_wait3A_327 : memref<2048x64xbf16, #tpu.memory_space<vmem_shared>>)
        tpu.yield
      }) : () -> ()
      %barrier3A = arith.constant 0 : index
      tpu.barrier barrier_id(%barrier3A)
      %dma_start3A = arith.constant 0 : i32
      %dma_start3A_13 = tpu.memref_slice %arg2[%mul3A_0, %dma_start3A] : memref<114688x64xbf16, #tpu.memory_space<hbm>> -> memref<512x64xbf16, #tpu.memory_space<hbm>>
      %dma_start3A_14 = arith.constant 0 : i32
      %dma_start3A_15 = tpu.memref_slice %arg2[%mul3A_0, %dma_start3A_14] : memref<114688x64xbf16, #tpu.memory_space<hbm>> -> memref<512x64xbf16, #tpu.memory_space<hbm>>
      tpu.enqueue_dma source(%dma_start3A_15 : memref<512x64xbf16, #tpu.memory_space<hbm>>) target(%arg7 : memref<512x64xbf16, #tpu.memory_space<vmem>>) target_semaphore(%arg12 : memref<!tpu.dma_semaphore, #tpu.memory_space<semaphore_mem>>)
      %add3A_16 = arith.constant 512 : i32
      %add3A_17 = arith.addi %mul3A_0, %add3A_16 : i32
      %dma_start3A_18 = arith.constant 0 : i32
      %dma_start3A_19 = tpu.memref_slice %arg2[%add3A_17, %dma_start3A_18] : memref<114688x64xbf16, #tpu.memory_space<hbm>> -> memref<512x64xbf16, #tpu.memory_space<hbm>>
      %dma_start3A_20 = arith.constant 0 : i32
      %dma_start3A_21 = tpu.memref_slice %arg2[%add3A_17, %dma_start3A_20] : memref<114688x64xbf16, #tpu.memory_space<hbm>> -> memref<512x64xbf16, #tpu.memory_space<hbm>>
      tpu.enqueue_dma source(%dma_start3A_21 : memref<512x64xbf16, #tpu.memory_space<hbm>>) target(%arg8 : memref<512x64xbf16, #tpu.memory_space<vmem>>) target_semaphore(%arg13 : memref<!tpu.dma_semaphore, #tpu.memory_space<semaphore_mem>>)
      %dma_wait3A = arith.constant 0 : i32
      %dma_wait3A_22 = tpu.memref_slice %arg2[%mul3A_0, %dma_wait3A] : memref<114688x64xbf16, #tpu.memory_space<hbm>> -> memref<512x64xbf16, #tpu.memory_space<hbm>>
      %dma_wait3A_23 = arith.constant 0 : i32
      %dma_wait3A_24 = tpu.memref_slice %arg2[%mul3A_0, %dma_wait3A_23] : memref<114688x64xbf16, #tpu.memory_space<hbm>> -> memref<512x64xbf16, #tpu.memory_space<hbm>>
      tpu.wait_dma2 semaphore(%arg12 : memref<!tpu.dma_semaphore, #tpu.memory_space<semaphore_mem>>) src(%dma_wait3A_24 : memref<512x64xbf16, #tpu.memory_space<hbm>>) dst(%arg7 : memref<512x64xbf16, #tpu.memory_space<vmem>>)
      %scan3A_25 = arith.constant 0 : i32
      %scan3A_26 = arith.constant 0 : i32
      %scan3A_27 = arith.constant 32 : i32
      %scan3A_28 = arith.addi %scan3A_26, %scan3A_27 : i32
      %scan3A_29 = arith.constant 1 : i32
      scf.for %scan3A_324 = %scan3A_26 to %scan3A_28 step %scan3A_29  : i32 {
        %mul3A_325 = arith.constant 16 : i32
        %mul3A_326 = arith.muli %scan3A_324, %mul3A_325 : i32
        %add3A_327 = arith.constant 0 : i32
        %add3A_328 = arith.addi %add3A_327, %mul3A_326 : i32
        %get3A = arith.index_cast %add3A_328 : i32 to index
        %get3A_329 = tpu.vector_load %arg6[%get3A] {strides = array<i32>} : memref<7168xi32, #tpu.memory_space<vmem>>, vector<16xi32>,
        %get3A_330 = vector.shape_cast %get3A_329 : vector<16xi32> to vector<16xi32>
        %sub3A = vector.broadcast %mul3A_10 : i32 to vector<16xi32>
        %sub3A_331 = arith.subi %get3A_330, %sub3A : vector<16xi32>
        %ge3A = arith.constant 0 : i32
        %ge3A_332 = vector.broadcast %ge3A : i32 to vector<16xi32>
        %ge3A_333 = arith.cmpi sge, %sub3A_331, %ge3A_332 : vector<16xi32>
        %lt3A = arith.constant 32768 : i32
        %lt3A_334 = vector.broadcast %lt3A : i32 to vector<16xi32>
        %lt3A_335 = arith.cmpi slt, %sub3A_331, %lt3A_334 : vector<16xi32>
        %and3A = arith.andi %ge3A_333, %lt3A_335 : vector<16xi1>
        %jit3A = arith.constant 32768 : i32
        %broadcast_in_dim3A = vector.broadcast %jit3A : i32 to vector<16xi32>
        %select_n3A = arith.select %and3A, %sub3A_331, %broadcast_in_dim3A : vector<16xi1>, vector<16xi32>
        %mul3A_336 = arith.constant 16 : i32
        %mul3A_337 = arith.muli %scan3A_324, %mul3A_336 : i32
        %swap3A = arith.index_cast %mul3A_337 : i32 to index
        %swap3A_338 = tpu.vector_load %arg9[%swap3A] {strides = array<i32>} : memref<512xi32, #tpu.memory_space<vmem>>, vector<16xi32>,
        %swap3A_339 = vector.shape_cast %swap3A_338 : vector<16xi32> to vector<16xi32>
        %swap3A_340 = vector.shape_cast %select_n3A : vector<16xi32> to vector<16xi32>
        tpu.vector_store %arg9[%swap3A], %swap3A_340 {strides = array<i32>} : memref<512xi32, #tpu.memory_space<vmem>>, vector<16xi32>,
      }
      %scan3A_30 = arith.constant 32 : i32
      %dma_start3A_31 = arith.constant 0 : i32
      %dma_start3A_32 = arith.constant 0 : i32
      %dma_start3A_33 = tpu.memref_slice %arg11[%dma_start3A_31, %dma_start3A_32] : memref<32776x64xbf16, #tpu.memory_space<vmem_shared>> -> memref<32776x64xbf16, #tpu.memory_space<vmem_shared>>
      tpu.enqueue_indirect_dma source(%arg7 : memref<512x64xbf16, #tpu.memory_space<vmem>>) target(%dma_start3A_33 : memref<32776x64xbf16, #tpu.memory_space<vmem_shared>>) offsets(%arg9 : memref<512xi32, #tpu.memory_space<vmem>>) semaphore(%arg14 : memref<!tpu.dma_semaphore, #tpu.memory_space<semaphore_mem>>) {add = true}
      %dma_wait3A_34 = arith.constant 0 : i32
      %dma_wait3A_35 = arith.constant 0 : i32
      %dma_wait3A_36 = tpu.memref_slice %arg11[%dma_wait3A_34, %dma_wait3A_35] : memref<32776x64xbf16, #tpu.memory_space<vmem_shared>> -> memref<32776x64xbf16, #tpu.memory_space<vmem_shared>>
      tpu.wait_indirect_dma semaphore(%arg14 : memref<!tpu.dma_semaphore, #tpu.memory_space<semaphore_mem>>) src(%arg7 : memref<512x64xbf16, #tpu.memory_space<vmem>>) dst(%dma_wait3A_36 : memref<32776x64xbf16, #tpu.memory_space<vmem_shared>>)
      %add3A_37 = arith.constant 1024 : i32
      %add3A_38 = arith.addi %mul3A_0, %add3A_37 : i32
      %dma_start3A_39 = arith.constant 0 : i32
      %dma_start3A_40 = tpu.memref_slice %arg2[%add3A_38, %dma_start3A_39] : memref<114688x64xbf16, #tpu.memory_space<hbm>> -> memref<512x64xbf16, #tpu.memory_space<hbm>>
      %dma_start3A_41 = arith.constant 0 : i32
      %dma_start3A_42 = tpu.memref_slice %arg2[%add3A_38, %dma_start3A_41] : memref<114688x64xbf16, #tpu.memory_space<hbm>> -> memref<512x64xbf16, #tpu.memory_space<hbm>>
      tpu.enqueue_dma source(%dma_start3A_42 : memref<512x64xbf16, #tpu.memory_space<hbm>>) target(%arg7 : memref<512x64xbf16, #tpu.memory_space<vmem>>) target_semaphore(%arg12 : memref<!tpu.dma_semaphore, #tpu.memory_space<semaphore_mem>>)
      %dma_wait3A_43 = arith.constant 0 : i32
      %dma_wait3A_44 = tpu.memref_slice %arg2[%add3A_17, %dma_wait3A_43] : memref<114688x64xbf16, #tpu.memory_space<hbm>> -> memref<512x64xbf16, #tpu.memory_space<hbm>>
      %dma_wait3A_45 = arith.constant 0 : i32
      %dma_wait3A_46 = tpu.memref_slice %arg2[%add3A_17, %dma_wait3A_45] : memref<114688x64xbf16, #tpu.memory_space<hbm>> -> memref<512x64xbf16, #tpu.memory_space<hbm>>
      tpu.wait_dma2 semaphore(%arg13 : memref<!tpu.dma_semaphore, #tpu.memory_space<semaphore_mem>>) src(%dma_wait3A_46 : memref<512x64xbf16, #tpu.memory_space<hbm>>) dst(%arg8 : memref<512x64xbf16, #tpu.memory_space<vmem>>)
      %scan3A_47 = arith.constant 0 : i32
      %scan3A_48 = arith.constant 0 : i32
      %scan3A_49 = arith.constant 32 : i32
      %scan3A_50 = arith.addi %scan3A_48, %scan3A_49 : i32
      %scan3A_51 = arith.constant 1 : i32
      scf.for %scan3A_324 = %scan3A_48 to %scan3A_50 step %scan3A_51  : i32 {
        %mul3A_325 = arith.constant 16 : i32
        %mul3A_326 = arith.muli %scan3A_324, %mul3A_325 : i32
        %add3A_327 = arith.constant 512 : i32
        %add3A_328 = arith.addi %add3A_327, %mul3A_326 : i32
        %get3A = arith.index_cast %add3A_328 : i32 to index
        %get3A_329 = tpu.vector_load %arg6[%get3A] {strides = array<i32>} : memref<7168xi32, #tpu.memory_space<vmem>>, vector<16xi32>,
        %get3A_330 = vector.shape_cast %get3A_329 : vector<16xi32> to vector<16xi32>
        %sub3A = vector.broadcast %mul3A_10 : i32 to vector<16xi32>
        %sub3A_331 = arith.subi %get3A_330, %sub3A : vector<16xi32>
        %ge3A = arith.constant 0 : i32
        %ge3A_332 = vector.broadcast %ge3A : i32 to vector<16xi32>
        %ge3A_333 = arith.cmpi sge, %sub3A_331, %ge3A_332 : vector<16xi32>
        %lt3A = arith.constant 32768 : i32
        %lt3A_334 = vector.broadcast %lt3A : i32 to vector<16xi32>
        %lt3A_335 = arith.cmpi slt, %sub3A_331, %lt3A_334 : vector<16xi32>
        %and3A = arith.andi %ge3A_333, %lt3A_335 : vector<16xi1>
        %jit3A = arith.constant 32768 : i32
        %broadcast_in_dim3A = vector.broadcast %jit3A : i32 to vector<16xi32>
        %select_n3A = arith.select %and3A, %sub3A_331, %broadcast_in_dim3A : vector<16xi1>, vector<16xi32>
        %mul3A_336 = arith.constant 16 : i32
        %mul3A_337 = arith.muli %scan3A_324, %mul3A_336 : i32
        %swap3A = arith.index_cast %mul3A_337 : i32 to index
        %swap3A_338 = tpu.vector_load %arg10[%swap3A] {strides = array<i32>} : memref<512xi32, #tpu.memory_space<vmem>>, vector<16xi32>,
        %swap3A_339 = vector.shape_cast %swap3A_338 : vector<16xi32> to vector<16xi32>
        %swap3A_340 = vector.shape_cast %select_n3A : vector<16xi32> to vector<16xi32>
        tpu.vector_store %arg10[%swap3A], %swap3A_340 {strides = array<i32>} : memref<512xi32, #tpu.memory_space<vmem>>, vector<16xi32>,
      }
      %scan3A_52 = arith.constant 32 : i32
      %dma_start3A_53 = arith.constant 0 : i32
      %dma_start3A_54 = arith.constant 0 : i32
      %dma_start3A_55 = tpu.memref_slice %arg11[%dma_start3A_53, %dma_start3A_54] : memref<32776x64xbf16, #tpu.memory_space<vmem_shared>> -> memref<32776x64xbf16, #tpu.memory_space<vmem_shared>>
      tpu.enqueue_indirect_dma source(%arg8 : memref<512x64xbf16, #tpu.memory_space<vmem>>) target(%dma_start3A_55 : memref<32776x64xbf16, #tpu.memory_space<vmem_shared>>) offsets(%arg10 : memref<512xi32, #tpu.memory_space<vmem>>) semaphore(%arg15 : memref<!tpu.dma_semaphore, #tpu.memory_space<semaphore_mem>>) {add = true}
      %dma_wait3A_56 = arith.constant 0 : i32
      %dma_wait3A_57 = arith.constant 0 : i32
      %dma_wait3A_58 = tpu.memref_slice %arg11[%dma_wait3A_56, %dma_wait3A_57] : memref<32776x64xbf16, #tpu.memory_space<vmem_shared>> -> memref<32776x64xbf16, #tpu.memory_space<vmem_shared>>
      tpu.wait_indirect_dma semaphore(%arg15 : memref<!tpu.dma_semaphore, #tpu.memory_space<semaphore_mem>>) src(%arg8 : memref<512x64xbf16, #tpu.memory_space<vmem>>) dst(%dma_wait3A_58 : memref<32776x64xbf16, #tpu.memory_space<vmem_shared>>)
      %add3A_59 = arith.constant 1536 : i32
      %add3A_60 = arith.addi %mul3A_0, %add3A_59 : i32
      %dma_start3A_61 = arith.constant 0 : i32
      %dma_start3A_62 = tpu.memref_slice %arg2[%add3A_60, %dma_start3A_61] : memref<114688x64xbf16, #tpu.memory_space<hbm>> -> memref<512x64xbf16, #tpu.memory_space<hbm>>
      %dma_start3A_63 = arith.constant 0 : i32
      %dma_start3A_64 = tpu.memref_slice %arg2[%add3A_60, %dma_start3A_63] : memref<114688x64xbf16, #tpu.memory_space<hbm>> -> memref<512x64xbf16, #tpu.memory_space<hbm>>
      tpu.enqueue_dma source(%dma_start3A_64 : memref<512x64xbf16, #tpu.memory_space<hbm>>) target(%arg8 : memref<512x64xbf16, #tpu.memory_space<vmem>>) target_semaphore(%arg13 : memref<!tpu.dma_semaphore, #tpu.memory_space<semaphore_mem>>)
      %dma_wait3A_65 = arith.constant 0 : i32
      %dma_wait3A_66 = tpu.memref_slice %arg2[%add3A_38, %dma_wait3A_65] : memref<114688x64xbf16, #tpu.memory_space<hbm>> -> memref<512x64xbf16, #tpu.memory_space<hbm>>
      %dma_wait3A_67 = arith.constant 0 : i32
      %dma_wait3A_68 = tpu.memref_slice %arg2[%add3A_38, %dma_wait3A_67] : memref<114688x64xbf16, #tpu.memory_space<hbm>> -> memref<512x64xbf16, #tpu.memory_space<hbm>>
      tpu.wait_dma2 semaphore(%arg12 : memref<!tpu.dma_semaphore, #tpu.memory_space<semaphore_mem>>) src(%dma_wait3A_68 : memref<512x64xbf16, #tpu.memory_space<hbm>>) dst(%arg7 : memref<512x64xbf16, #tpu.memory_space<vmem>>)
      %scan3A_69 = arith.constant 0 : i32
      %scan3A_70 = arith.constant 0 : i32
      %scan3A_71 = arith.constant 32 : i32
      %scan3A_72 = arith.addi %scan3A_70, %scan3A_71 : i32
      %scan3A_73 = arith.constant 1 : i32
      scf.for %scan3A_324 = %scan3A_70 to %scan3A_72 step %scan3A_73  : i32 {
        %mul3A_325 = arith.constant 16 : i32
        %mul3A_326 = arith.muli %scan3A_324, %mul3A_325 : i32
        %add3A_327 = arith.constant 1024 : i32
        %add3A_328 = arith.addi %add3A_327, %mul3A_326 : i32
        %get3A = arith.index_cast %add3A_328 : i32 to index
        %get3A_329 = tpu.vector_load %arg6[%get3A] {strides = array<i32>} : memref<7168xi32, #tpu.memory_space<vmem>>, vector<16xi32>,
        %get3A_330 = vector.shape_cast %get3A_329 : vector<16xi32> to vector<16xi32>
        %sub3A = vector.broadcast %mul3A_10 : i32 to vector<16xi32>
        %sub3A_331 = arith.subi %get3A_330, %sub3A : vector<16xi32>
        %ge3A = arith.constant 0 : i32
        %ge3A_332 = vector.broadcast %ge3A : i32 to vector<16xi32>
        %ge3A_333 = arith.cmpi sge, %sub3A_331, %ge3A_332 : vector<16xi32>
        %lt3A = arith.constant 32768 : i32
        %lt3A_334 = vector.broadcast %lt3A : i32 to vector<16xi32>
        %lt3A_335 = arith.cmpi slt, %sub3A_331, %lt3A_334 : vector<16xi32>
        %and3A = arith.andi %ge3A_333, %lt3A_335 : vector<16xi1>
        %jit3A = arith.constant 32768 : i32
        %broadcast_in_dim3A = vector.broadcast %jit3A : i32 to vector<16xi32>
        %select_n3A = arith.select %and3A, %sub3A_331, %broadcast_in_dim3A : vector<16xi1>, vector<16xi32>
        %mul3A_336 = arith.constant 16 : i32
        %mul3A_337 = arith.muli %scan3A_324, %mul3A_336 : i32
        %swap3A = arith.index_cast %mul3A_337 : i32 to index
        %swap3A_338 = tpu.vector_load %arg9[%swap3A] {strides = array<i32>} : memref<512xi32, #tpu.memory_space<vmem>>, vector<16xi32>,
        %swap3A_339 = vector.shape_cast %swap3A_338 : vector<16xi32> to vector<16xi32>
        %swap3A_340 = vector.shape_cast %select_n3A : vector<16xi32> to vector<16xi32>
        tpu.vector_store %arg9[%swap3A], %swap3A_340 {strides = array<i32>} : memref<512xi32, #tpu.memory_space<vmem>>, vector<16xi32>,
      }
      %scan3A_74 = arith.constant 32 : i32
      %dma_start3A_75 = arith.constant 0 : i32
      %dma_start3A_76 = arith.constant 0 : i32
      %dma_start3A_77 = tpu.memref_slice %arg11[%dma_start3A_75, %dma_start3A_76] : memref<32776x64xbf16, #tpu.memory_space<vmem_shared>> -> memref<32776x64xbf16, #tpu.memory_space<vmem_shared>>
      tpu.enqueue_indirect_dma source(%arg7 : memref<512x64xbf16, #tpu.memory_space<vmem>>) target(%dma_start3A_77 : memref<32776x64xbf16, #tpu.memory_space<vmem_shared>>) offsets(%arg9 : memref<512xi32, #tpu.memory_space<vmem>>) semaphore(%arg14 : memref<!tpu.dma_semaphore, #tpu.memory_space<semaphore_mem>>) {add = true}
      %dma_wait3A_78 = arith.constant 0 : i32
      %dma_wait3A_79 = arith.constant 0 : i32
      %dma_wait3A_80 = tpu.memref_slice %arg11[%dma_wait3A_78, %dma_wait3A_79] : memref<32776x64xbf16, #tpu.memory_space<vmem_shared>> -> memref<32776x64xbf16, #tpu.memory_space<vmem_shared>>
      tpu.wait_indirect_dma semaphore(%arg14 : memref<!tpu.dma_semaphore, #tpu.memory_space<semaphore_mem>>) src(%arg7 : memref<512x64xbf16, #tpu.memory_space<vmem>>) dst(%dma_wait3A_80 : memref<32776x64xbf16, #tpu.memory_space<vmem_shared>>)
      %add3A_81 = arith.constant 2048 : i32
      %add3A_82 = arith.addi %mul3A_0, %add3A_81 : i32
      %dma_start3A_83 = arith.constant 0 : i32
      %dma_start3A_84 = tpu.memref_slice %arg2[%add3A_82, %dma_start3A_83] : memref<114688x64xbf16, #tpu.memory_space<hbm>> -> memref<512x64xbf16, #tpu.memory_space<hbm>>
      %dma_start3A_85 = arith.constant 0 : i32
      %dma_start3A_86 = tpu.memref_slice %arg2[%add3A_82, %dma_start3A_85] : memref<114688x64xbf16, #tpu.memory_space<hbm>> -> memref<512x64xbf16, #tpu.memory_space<hbm>>
      tpu.enqueue_dma source(%dma_start3A_86 : memref<512x64xbf16, #tpu.memory_space<hbm>>) target(%arg7 : memref<512x64xbf16, #tpu.memory_space<vmem>>) target_semaphore(%arg12 : memref<!tpu.dma_semaphore, #tpu.memory_space<semaphore_mem>>)
      %dma_wait3A_87 = arith.constant 0 : i32
      %dma_wait3A_88 = tpu.memref_slice %arg2[%add3A_60, %dma_wait3A_87] : memref<114688x64xbf16, #tpu.memory_space<hbm>> -> memref<512x64xbf16, #tpu.memory_space<hbm>>
      %dma_wait3A_89 = arith.constant 0 : i32
      %dma_wait3A_90 = tpu.memref_slice %arg2[%add3A_60, %dma_wait3A_89] : memref<114688x64xbf16, #tpu.memory_space<hbm>> -> memref<512x64xbf16, #tpu.memory_space<hbm>>
      tpu.wait_dma2 semaphore(%arg13 : memref<!tpu.dma_semaphore, #tpu.memory_space<semaphore_mem>>) src(%dma_wait3A_90 : memref<512x64xbf16, #tpu.memory_space<hbm>>) dst(%arg8 : memref<512x64xbf16, #tpu.memory_space<vmem>>)
      %scan3A_91 = arith.constant 0 : i32
      %scan3A_92 = arith.constant 0 : i32
      %scan3A_93 = arith.constant 32 : i32
      %scan3A_94 = arith.addi %scan3A_92, %scan3A_93 : i32
      %scan3A_95 = arith.constant 1 : i32
      scf.for %scan3A_324 = %scan3A_92 to %scan3A_94 step %scan3A_95  : i32 {
        %mul3A_325 = arith.constant 16 : i32
        %mul3A_326 = arith.muli %scan3A_324, %mul3A_325 : i32
        %add3A_327 = arith.constant 1536 : i32
        %add3A_328 = arith.addi %add3A_327, %mul3A_326 : i32
        %get3A = arith.index_cast %add3A_328 : i32 to index
        %get3A_329 = tpu.vector_load %arg6[%get3A] {strides = array<i32>} : memref<7168xi32, #tpu.memory_space<vmem>>, vector<16xi32>,
        %get3A_330 = vector.shape_cast %get3A_329 : vector<16xi32> to vector<16xi32>
        %sub3A = vector.broadcast %mul3A_10 : i32 to vector<16xi32>
        %sub3A_331 = arith.subi %get3A_330, %sub3A : vector<16xi32>
        %ge3A = arith.constant 0 : i32
        %ge3A_332 = vector.broadcast %ge3A : i32 to vector<16xi32>
        %ge3A_333 = arith.cmpi sge, %sub3A_331, %ge3A_332 : vector<16xi32>
        %lt3A = arith.constant 32768 : i32
        %lt3A_334 = vector.broadcast %lt3A : i32 to vector<16xi32>
        %lt3A_335 = arith.cmpi slt, %sub3A_331, %lt3A_334 : vector<16xi32>
        %and3A = arith.andi %ge3A_333, %lt3A_335 : vector<16xi1>
        %jit3A = arith.constant 32768 : i32
        %broadcast_in_dim3A = vector.broadcast %jit3A : i32 to vector<16xi32>
        %select_n3A = arith.select %and3A, %sub3A_331, %broadcast_in_dim3A : vector<16xi1>, vector<16xi32>
        %mul3A_336 = arith.constant 16 : i32
        %mul3A_337 = arith.muli %scan3A_324, %mul3A_336 : i32
        %swap3A = arith.index_cast %mul3A_337 : i32 to index
        %swap3A_338 = tpu.vector_load %arg10[%swap3A] {strides = array<i32>} : memref<512xi32, #tpu.memory_space<vmem>>, vector<16xi32>,
        %swap3A_339 = vector.shape_cast %swap3A_338 : vector<16xi32> to vector<16xi32>
        %swap3A_340 = vector.shape_cast %select_n3A : vector<16xi32> to vector<16xi32>
        tpu.vector_store %arg10[%swap3A], %swap3A_340 {strides = array<i32>} : memref<512xi32, #tpu.memory_space<vmem>>, vector<16xi32>,
      }
      %scan3A_96 = arith.constant 32 : i32
      %dma_start3A_97 = arith.constant 0 : i32
      %dma_start3A_98 = arith.constant 0 : i32
      %dma_start3A_99 = tpu.memref_slice %arg11[%dma_start3A_97, %dma_start3A_98] : memref<32776x64xbf16, #tpu.memory_space<vmem_shared>> -> memref<32776x64xbf16, #tpu.memory_space<vmem_shared>>
      tpu.enqueue_indirect_dma source(%arg8 : memref<512x64xbf16, #tpu.memory_space<vmem>>) target(%dma_start3A_99 : memref<32776x64xbf16, #tpu.memory_space<vmem_shared>>) offsets(%arg10 : memref<512xi32, #tpu.memory_space<vmem>>) semaphore(%arg15 : memref<!tpu.dma_semaphore, #tpu.memory_space<semaphore_mem>>) {add = true}
      %dma_wait3A_100 = arith.constant 0 : i32
      %dma_wait3A_101 = arith.constant 0 : i32
      %dma_wait3A_102 = tpu.memref_slice %arg11[%dma_wait3A_100, %dma_wait3A_101] : memref<32776x64xbf16, #tpu.memory_space<vmem_shared>> -> memref<32776x64xbf16, #tpu.memory_space<vmem_shared>>
      tpu.wait_indirect_dma semaphore(%arg15 : memref<!tpu.dma_semaphore, #tpu.memory_space<semaphore_mem>>) src(%arg8 : memref<512x64xbf16, #tpu.memory_space<vmem>>) dst(%dma_wait3A_102 : memref<32776x64xbf16, #tpu.memory_space<vmem_shared>>)
      %add3A_103 = arith.constant 2560 : i32
      %add3A_104 = arith.addi %mul3A_0, %add3A_103 : i32
      %dma_start3A_105 = arith.constant 0 : i32
      %dma_start3A_106 = tpu.memref_slice %arg2[%add3A_104, %dma_start3A_105] : memref<114688x64xbf16, #tpu.memory_space<hbm>> -> memref<512x64xbf16, #tpu.memory_space<hbm>>
      %dma_start3A_107 = arith.constant 0 : i32
      %dma_start3A_108 = tpu.memref_slice %arg2[%add3A_104, %dma_start3A_107] : memref<114688x64xbf16, #tpu.memory_space<hbm>> -> memref<512x64xbf16, #tpu.memory_space<hbm>>
      tpu.enqueue_dma source(%dma_start3A_108 : memref<512x64xbf16, #tpu.memory_space<hbm>>) target(%arg8 : memref<512x64xbf16, #tpu.memory_space<vmem>>) target_semaphore(%arg13 : memref<!tpu.dma_semaphore, #tpu.memory_space<semaphore_mem>>)
      %dma_wait3A_109 = arith.constant 0 : i32
      %dma_wait3A_110 = tpu.memref_slice %arg2[%add3A_82, %dma_wait3A_109] : memref<114688x64xbf16, #tpu.memory_space<hbm>> -> memref<512x64xbf16, #tpu.memory_space<hbm>>
      %dma_wait3A_111 = arith.constant 0 : i32
      %dma_wait3A_112 = tpu.memref_slice %arg2[%add3A_82, %dma_wait3A_111] : memref<114688x64xbf16, #tpu.memory_space<hbm>> -> memref<512x64xbf16, #tpu.memory_space<hbm>>
      tpu.wait_dma2 semaphore(%arg12 : memref<!tpu.dma_semaphore, #tpu.memory_space<semaphore_mem>>) src(%dma_wait3A_112 : memref<512x64xbf16, #tpu.memory_space<hbm>>) dst(%arg7 : memref<512x64xbf16, #tpu.memory_space<vmem>>)
      %scan3A_113 = arith.constant 0 : i32
      %scan3A_114 = arith.constant 0 : i32
      %scan3A_115 = arith.constant 32 : i32
      %scan3A_116 = arith.addi %scan3A_114, %scan3A_115 : i32
      %scan3A_117 = arith.constant 1 : i32
      scf.for %scan3A_324 = %scan3A_114 to %scan3A_116 step %scan3A_117  : i32 {
        %mul3A_325 = arith.constant 16 : i32
        %mul3A_326 = arith.muli %scan3A_324, %mul3A_325 : i32
        %add3A_327 = arith.constant 2048 : i32
        %add3A_328 = arith.addi %add3A_327, %mul3A_326 : i32
        %get3A = arith.index_cast %add3A_328 : i32 to index
        %get3A_329 = tpu.vector_load %arg6[%get3A] {strides = array<i32>} : memref<7168xi32, #tpu.memory_space<vmem>>, vector<16xi32>,
        %get3A_330 = vector.shape_cast %get3A_329 : vector<16xi32> to vector<16xi32>
        %sub3A = vector.broadcast %mul3A_10 : i32 to vector<16xi32>
        %sub3A_331 = arith.subi %get3A_330, %sub3A : vector<16xi32>
        %ge3A = arith.constant 0 : i32
        %ge3A_332 = vector.broadcast %ge3A : i32 to vector<16xi32>
        %ge3A_333 = arith.cmpi sge, %sub3A_331, %ge3A_332 : vector<16xi32>
        %lt3A = arith.constant 32768 : i32
        %lt3A_334 = vector.broadcast %lt3A : i32 to vector<16xi32>
        %lt3A_335 = arith.cmpi slt, %sub3A_331, %lt3A_334 : vector<16xi32>
        %and3A = arith.andi %ge3A_333, %lt3A_335 : vector<16xi1>
        %jit3A = arith.constant 32768 : i32
        %broadcast_in_dim3A = vector.broadcast %jit3A : i32 to vector<16xi32>
        %select_n3A = arith.select %and3A, %sub3A_331, %broadcast_in_dim3A : vector<16xi1>, vector<16xi32>
        %mul3A_336 = arith.constant 16 : i32
        %mul3A_337 = arith.muli %scan3A_324, %mul3A_336 : i32
        %swap3A = arith.index_cast %mul3A_337 : i32 to index
        %swap3A_338 = tpu.vector_load %arg9[%swap3A] {strides = array<i32>} : memref<512xi32, #tpu.memory_space<vmem>>, vector<16xi32>,
        %swap3A_339 = vector.shape_cast %swap3A_338 : vector<16xi32> to vector<16xi32>
        %swap3A_340 = vector.shape_cast %select_n3A : vector<16xi32> to vector<16xi32>
        tpu.vector_store %arg9[%swap3A], %swap3A_340 {strides = array<i32>} : memref<512xi32, #tpu.memory_space<vmem>>, vector<16xi32>,
      }
      %scan3A_118 = arith.constant 32 : i32
      %dma_start3A_119 = arith.constant 0 : i32
      %dma_start3A_120 = arith.constant 0 : i32
      %dma_start3A_121 = tpu.memref_slice %arg11[%dma_start3A_119, %dma_start3A_120] : memref<32776x64xbf16, #tpu.memory_space<vmem_shared>> -> memref<32776x64xbf16, #tpu.memory_space<vmem_shared>>
      tpu.enqueue_indirect_dma source(%arg7 : memref<512x64xbf16, #tpu.memory_space<vmem>>) target(%dma_start3A_121 : memref<32776x64xbf16, #tpu.memory_space<vmem_shared>>) offsets(%arg9 : memref<512xi32, #tpu.memory_space<vmem>>) semaphore(%arg14 : memref<!tpu.dma_semaphore, #tpu.memory_space<semaphore_mem>>) {add = true}
      %dma_wait3A_122 = arith.constant 0 : i32
      %dma_wait3A_123 = arith.constant 0 : i32
      %dma_wait3A_124 = tpu.memref_slice %arg11[%dma_wait3A_122, %dma_wait3A_123] : memref<32776x64xbf16, #tpu.memory_space<vmem_shared>> -> memref<32776x64xbf16, #tpu.memory_space<vmem_shared>>
      tpu.wait_indirect_dma semaphore(%arg14 : memref<!tpu.dma_semaphore, #tpu.memory_space<semaphore_mem>>) src(%arg7 : memref<512x64xbf16, #tpu.memory_space<vmem>>) dst(%dma_wait3A_124 : memref<32776x64xbf16, #tpu.memory_space<vmem_shared>>)
      %add3A_125 = arith.constant 3072 : i32
      %add3A_126 = arith.addi %mul3A_0, %add3A_125 : i32
      %dma_start3A_127 = arith.constant 0 : i32
      %dma_start3A_128 = tpu.memref_slice %arg2[%add3A_126, %dma_start3A_127] : memref<114688x64xbf16, #tpu.memory_space<hbm>> -> memref<512x64xbf16, #tpu.memory_space<hbm>>
      %dma_start3A_129 = arith.constant 0 : i32
      %dma_start3A_130 = tpu.memref_slice %arg2[%add3A_126, %dma_start3A_129] : memref<114688x64xbf16, #tpu.memory_space<hbm>> -> memref<512x64xbf16, #tpu.memory_space<hbm>>
      tpu.enqueue_dma source(%dma_start3A_130 : memref<512x64xbf16, #tpu.memory_space<hbm>>) target(%arg7 : memref<512x64xbf16, #tpu.memory_space<vmem>>) target_semaphore(%arg12 : memref<!tpu.dma_semaphore, #tpu.memory_space<semaphore_mem>>)
      %dma_wait3A_131 = arith.constant 0 : i32
      %dma_wait3A_132 = tpu.memref_slice %arg2[%add3A_104, %dma_wait3A_131] : memref<114688x64xbf16, #tpu.memory_space<hbm>> -> memref<512x64xbf16, #tpu.memory_space<hbm>>
      %dma_wait3A_133 = arith.constant 0 : i32
      %dma_wait3A_134 = tpu.memref_slice %arg2[%add3A_104, %dma_wait3A_133] : memref<114688x64xbf16, #tpu.memory_space<hbm>> -> memref<512x64xbf16, #tpu.memory_space<hbm>>
      tpu.wait_dma2 semaphore(%arg13 : memref<!tpu.dma_semaphore, #tpu.memory_space<semaphore_mem>>) src(%dma_wait3A_134 : memref<512x64xbf16, #tpu.memory_space<hbm>>) dst(%arg8 : memref<512x64xbf16, #tpu.memory_space<vmem>>)
      %scan3A_135 = arith.constant 0 : i32
      %scan3A_136 = arith.constant 0 : i32
      %scan3A_137 = arith.constant 32 : i32
      %scan3A_138 = arith.addi %scan3A_136, %scan3A_137 : i32
      %scan3A_139 = arith.constant 1 : i32
      scf.for %scan3A_324 = %scan3A_136 to %scan3A_138 step %scan3A_139  : i32 {
        %mul3A_325 = arith.constant 16 : i32
        %mul3A_326 = arith.muli %scan3A_324, %mul3A_325 : i32
        %add3A_327 = arith.constant 2560 : i32
        %add3A_328 = arith.addi %add3A_327, %mul3A_326 : i32
        %get3A = arith.index_cast %add3A_328 : i32 to index
        %get3A_329 = tpu.vector_load %arg6[%get3A] {strides = array<i32>} : memref<7168xi32, #tpu.memory_space<vmem>>, vector<16xi32>,
        %get3A_330 = vector.shape_cast %get3A_329 : vector<16xi32> to vector<16xi32>
        %sub3A = vector.broadcast %mul3A_10 : i32 to vector<16xi32>
        %sub3A_331 = arith.subi %get3A_330, %sub3A : vector<16xi32>
        %ge3A = arith.constant 0 : i32
        %ge3A_332 = vector.broadcast %ge3A : i32 to vector<16xi32>
        %ge3A_333 = arith.cmpi sge, %sub3A_331, %ge3A_332 : vector<16xi32>
        %lt3A = arith.constant 32768 : i32
        %lt3A_334 = vector.broadcast %lt3A : i32 to vector<16xi32>
        %lt3A_335 = arith.cmpi slt, %sub3A_331, %lt3A_334 : vector<16xi32>
        %and3A = arith.andi %ge3A_333, %lt3A_335 : vector<16xi1>
        %jit3A = arith.constant 32768 : i32
        %broadcast_in_dim3A = vector.broadcast %jit3A : i32 to vector<16xi32>
        %select_n3A = arith.select %and3A, %sub3A_331, %broadcast_in_dim3A : vector<16xi1>, vector<16xi32>
        %mul3A_336 = arith.constant 16 : i32
        %mul3A_337 = arith.muli %scan3A_324, %mul3A_336 : i32
        %swap3A = arith.index_cast %mul3A_337 : i32 to index
        %swap3A_338 = tpu.vector_load %arg10[%swap3A] {strides = array<i32>} : memref<512xi32, #tpu.memory_space<vmem>>, vector<16xi32>,
        %swap3A_339 = vector.shape_cast %swap3A_338 : vector<16xi32> to vector<16xi32>
        %swap3A_340 = vector.shape_cast %select_n3A : vector<16xi32> to vector<16xi32>
        tpu.vector_store %arg10[%swap3A], %swap3A_340 {strides = array<i32>} : memref<512xi32, #tpu.memory_space<vmem>>, vector<16xi32>,
      }
      %scan3A_140 = arith.constant 32 : i32
      %dma_start3A_141 = arith.constant 0 : i32
      %dma_start3A_142 = arith.constant 0 : i32
      %dma_start3A_143 = tpu.memref_slice %arg11[%dma_start3A_141, %dma_start3A_142] : memref<32776x64xbf16, #tpu.memory_space<vmem_shared>> -> memref<32776x64xbf16, #tpu.memory_space<vmem_shared>>
      tpu.enqueue_indirect_dma source(%arg8 : memref<512x64xbf16, #tpu.memory_space<vmem>>) target(%dma_start3A_143 : memref<32776x64xbf16, #tpu.memory_space<vmem_shared>>) offsets(%arg10 : memref<512xi32, #tpu.memory_space<vmem>>) semaphore(%arg15 : memref<!tpu.dma_semaphore, #tpu.memory_space<semaphore_mem>>) {add = true}
      %dma_wait3A_144 = arith.constant 0 : i32
      %dma_wait3A_145 = arith.constant 0 : i32
      %dma_wait3A_146 = tpu.memref_slice %arg11[%dma_wait3A_144, %dma_wait3A_145] : memref<32776x64xbf16, #tpu.memory_space<vmem_shared>> -> memref<32776x64xbf16, #tpu.memory_space<vmem_shared>>
      tpu.wait_indirect_dma semaphore(%arg15 : memref<!tpu.dma_semaphore, #tpu.memory_space<semaphore_mem>>) src(%arg8 : memref<512x64xbf16, #tpu.memory_space<vmem>>) dst(%dma_wait3A_146 : memref<32776x64xbf16, #tpu.memory_space<vmem_shared>>)
      %add3A_147 = arith.constant 3584 : i32
      %add3A_148 = arith.addi %mul3A_0, %add3A_147 : i32
      %dma_start3A_149 = arith.constant 0 : i32
      %dma_start3A_150 = tpu.memref_slice %arg2[%add3A_148, %dma_start3A_149] : memref<114688x64xbf16, #tpu.memory_space<hbm>> -> memref<512x64xbf16, #tpu.memory_space<hbm>>
      %dma_start3A_151 = arith.constant 0 : i32
      %dma_start3A_152 = tpu.memref_slice %arg2[%add3A_148, %dma_start3A_151] : memref<114688x64xbf16, #tpu.memory_space<hbm>> -> memref<512x64xbf16, #tpu.memory_space<hbm>>
      tpu.enqueue_dma source(%dma_start3A_152 : memref<512x64xbf16, #tpu.memory_space<hbm>>) target(%arg8 : memref<512x64xbf16, #tpu.memory_space<vmem>>) target_semaphore(%arg13 : memref<!tpu.dma_semaphore, #tpu.memory_space<semaphore_mem>>)
      %dma_wait3A_153 = arith.constant 0 : i32
      %dma_wait3A_154 = tpu.memref_slice %arg2[%add3A_126, %dma_wait3A_153] : memref<114688x64xbf16, #tpu.memory_space<hbm>> -> memref<512x64xbf16, #tpu.memory_space<hbm>>
      %dma_wait3A_155 = arith.constant 0 : i32
      %dma_wait3A_156 = tpu.memref_slice %arg2[%add3A_126, %dma_wait3A_155] : memref<114688x64xbf16, #tpu.memory_space<hbm>> -> memref<512x64xbf16, #tpu.memory_space<hbm>>
      tpu.wait_dma2 semaphore(%arg12 : memref<!tpu.dma_semaphore, #tpu.memory_space<semaphore_mem>>) src(%dma_wait3A_156 : memref<512x64xbf16, #tpu.memory_space<hbm>>) dst(%arg7 : memref<512x64xbf16, #tpu.memory_space<vmem>>)
      %scan3A_157 = arith.constant 0 : i32
      %scan3A_158 = arith.constant 0 : i32
      %scan3A_159 = arith.constant 32 : i32
      %scan3A_160 = arith.addi %scan3A_158, %scan3A_159 : i32
      %scan3A_161 = arith.constant 1 : i32
      scf.for %scan3A_324 = %scan3A_158 to %scan3A_160 step %scan3A_161  : i32 {
        %mul3A_325 = arith.constant 16 : i32
        %mul3A_326 = arith.muli %scan3A_324, %mul3A_325 : i32
        %add3A_327 = arith.constant 3072 : i32
        %add3A_328 = arith.addi %add3A_327, %mul3A_326 : i32
        %get3A = arith.index_cast %add3A_328 : i32 to index
        %get3A_329 = tpu.vector_load %arg6[%get3A] {strides = array<i32>} : memref<7168xi32, #tpu.memory_space<vmem>>, vector<16xi32>,
        %get3A_330 = vector.shape_cast %get3A_329 : vector<16xi32> to vector<16xi32>
        %sub3A = vector.broadcast %mul3A_10 : i32 to vector<16xi32>
        %sub3A_331 = arith.subi %get3A_330, %sub3A : vector<16xi32>
        %ge3A = arith.constant 0 : i32
        %ge3A_332 = vector.broadcast %ge3A : i32 to vector<16xi32>
        %ge3A_333 = arith.cmpi sge, %sub3A_331, %ge3A_332 : vector<16xi32>
        %lt3A = arith.constant 32768 : i32
        %lt3A_334 = vector.broadcast %lt3A : i32 to vector<16xi32>
        %lt3A_335 = arith.cmpi slt, %sub3A_331, %lt3A_334 : vector<16xi32>
        %and3A = arith.andi %ge3A_333, %lt3A_335 : vector<16xi1>
        %jit3A = arith.constant 32768 : i32
        %broadcast_in_dim3A = vector.broadcast %jit3A : i32 to vector<16xi32>
        %select_n3A = arith.select %and3A, %sub3A_331, %broadcast_in_dim3A : vector<16xi1>, vector<16xi32>
        %mul3A_336 = arith.constant 16 : i32
        %mul3A_337 = arith.muli %scan3A_324, %mul3A_336 : i32
        %swap3A = arith.index_cast %mul3A_337 : i32 to index
        %swap3A_338 = tpu.vector_load %arg9[%swap3A] {strides = array<i32>} : memref<512xi32, #tpu.memory_space<vmem>>, vector<16xi32>,
        %swap3A_339 = vector.shape_cast %swap3A_338 : vector<16xi32> to vector<16xi32>
        %swap3A_340 = vector.shape_cast %select_n3A : vector<16xi32> to vector<16xi32>
        tpu.vector_store %arg9[%swap3A], %swap3A_340 {strides = array<i32>} : memref<512xi32, #tpu.memory_space<vmem>>, vector<16xi32>,
      }
      %scan3A_162 = arith.constant 32 : i32
      %dma_start3A_163 = arith.constant 0 : i32
      %dma_start3A_164 = arith.constant 0 : i32
      %dma_start3A_165 = tpu.memref_slice %arg11[%dma_start3A_163, %dma_start3A_164] : memref<32776x64xbf16, #tpu.memory_space<vmem_shared>> -> memref<32776x64xbf16, #tpu.memory_space<vmem_shared>>
      tpu.enqueue_indirect_dma source(%arg7 : memref<512x64xbf16, #tpu.memory_space<vmem>>) target(%dma_start3A_165 : memref<32776x64xbf16, #tpu.memory_space<vmem_shared>>) offsets(%arg9 : memref<512xi32, #tpu.memory_space<vmem>>) semaphore(%arg14 : memref<!tpu.dma_semaphore, #tpu.memory_space<semaphore_mem>>) {add = true}
      %dma_wait3A_166 = arith.constant 0 : i32
      %dma_wait3A_167 = arith.constant 0 : i32
      %dma_wait3A_168 = tpu.memref_slice %arg11[%dma_wait3A_166, %dma_wait3A_167] : memref<32776x64xbf16, #tpu.memory_space<vmem_shared>> -> memref<32776x64xbf16, #tpu.memory_space<vmem_shared>>
      tpu.wait_indirect_dma semaphore(%arg14 : memref<!tpu.dma_semaphore, #tpu.memory_space<semaphore_mem>>) src(%arg7 : memref<512x64xbf16, #tpu.memory_space<vmem>>) dst(%dma_wait3A_168 : memref<32776x64xbf16, #tpu.memory_space<vmem_shared>>)
      %add3A_169 = arith.constant 4096 : i32
      %add3A_170 = arith.addi %mul3A_0, %add3A_169 : i32
      %dma_start3A_171 = arith.constant 0 : i32
      %dma_start3A_172 = tpu.memref_slice %arg2[%add3A_170, %dma_start3A_171] : memref<114688x64xbf16, #tpu.memory_space<hbm>> -> memref<512x64xbf16, #tpu.memory_space<hbm>>
      %dma_start3A_173 = arith.constant 0 : i32
      %dma_start3A_174 = tpu.memref_slice %arg2[%add3A_170, %dma_start3A_173] : memref<114688x64xbf16, #tpu.memory_space<hbm>> -> memref<512x64xbf16, #tpu.memory_space<hbm>>
      tpu.enqueue_dma source(%dma_start3A_174 : memref<512x64xbf16, #tpu.memory_space<hbm>>) target(%arg7 : memref<512x64xbf16, #tpu.memory_space<vmem>>) target_semaphore(%arg12 : memref<!tpu.dma_semaphore, #tpu.memory_space<semaphore_mem>>)
      %dma_wait3A_175 = arith.constant 0 : i32
      %dma_wait3A_176 = tpu.memref_slice %arg2[%add3A_148, %dma_wait3A_175] : memref<114688x64xbf16, #tpu.memory_space<hbm>> -> memref<512x64xbf16, #tpu.memory_space<hbm>>
      %dma_wait3A_177 = arith.constant 0 : i32
      %dma_wait3A_178 = tpu.memref_slice %arg2[%add3A_148, %dma_wait3A_177] : memref<114688x64xbf16, #tpu.memory_space<hbm>> -> memref<512x64xbf16, #tpu.memory_space<hbm>>
      tpu.wait_dma2 semaphore(%arg13 : memref<!tpu.dma_semaphore, #tpu.memory_space<semaphore_mem>>) src(%dma_wait3A_178 : memref<512x64xbf16, #tpu.memory_space<hbm>>) dst(%arg8 : memref<512x64xbf16, #tpu.memory_space<vmem>>)
      %scan3A_179 = arith.constant 0 : i32
      %scan3A_180 = arith.constant 0 : i32
      %scan3A_181 = arith.constant 32 : i32
      %scan3A_182 = arith.addi %scan3A_180, %scan3A_181 : i32
      %scan3A_183 = arith.constant 1 : i32
      scf.for %scan3A_324 = %scan3A_180 to %scan3A_182 step %scan3A_183  : i32 {
        %mul3A_325 = arith.constant 16 : i32
        %mul3A_326 = arith.muli %scan3A_324, %mul3A_325 : i32
        %add3A_327 = arith.constant 3584 : i32
        %add3A_328 = arith.addi %add3A_327, %mul3A_326 : i32
        %get3A = arith.index_cast %add3A_328 : i32 to index
        %get3A_329 = tpu.vector_load %arg6[%get3A] {strides = array<i32>} : memref<7168xi32, #tpu.memory_space<vmem>>, vector<16xi32>,
        %get3A_330 = vector.shape_cast %get3A_329 : vector<16xi32> to vector<16xi32>
        %sub3A = vector.broadcast %mul3A_10 : i32 to vector<16xi32>
        %sub3A_331 = arith.subi %get3A_330, %sub3A : vector<16xi32>
        %ge3A = arith.constant 0 : i32
        %ge3A_332 = vector.broadcast %ge3A : i32 to vector<16xi32>
        %ge3A_333 = arith.cmpi sge, %sub3A_331, %ge3A_332 : vector<16xi32>
        %lt3A = arith.constant 32768 : i32
        %lt3A_334 = vector.broadcast %lt3A : i32 to vector<16xi32>
        %lt3A_335 = arith.cmpi slt, %sub3A_331, %lt3A_334 : vector<16xi32>
        %and3A = arith.andi %ge3A_333, %lt3A_335 : vector<16xi1>
        %jit3A = arith.constant 32768 : i32
        %broadcast_in_dim3A = vector.broadcast %jit3A : i32 to vector<16xi32>
        %select_n3A = arith.select %and3A, %sub3A_331, %broadcast_in_dim3A : vector<16xi1>, vector<16xi32>
        %mul3A_336 = arith.constant 16 : i32
        %mul3A_337 = arith.muli %scan3A_324, %mul3A_336 : i32
        %swap3A = arith.index_cast %mul3A_337 : i32 to index
        %swap3A_338 = tpu.vector_load %arg10[%swap3A] {strides = array<i32>} : memref<512xi32, #tpu.memory_space<vmem>>, vector<16xi32>,
        %swap3A_339 = vector.shape_cast %swap3A_338 : vector<16xi32> to vector<16xi32>
        %swap3A_340 = vector.shape_cast %select_n3A : vector<16xi32> to vector<16xi32>
        tpu.vector_store %arg10[%swap3A], %swap3A_340 {strides = array<i32>} : memref<512xi32, #tpu.memory_space<vmem>>, vector<16xi32>,
      }
      %scan3A_184 = arith.constant 32 : i32
      %dma_start3A_185 = arith.constant 0 : i32
      %dma_start3A_186 = arith.constant 0 : i32
      %dma_start3A_187 = tpu.memref_slice %arg11[%dma_start3A_185, %dma_start3A_186] : memref<32776x64xbf16, #tpu.memory_space<vmem_shared>> -> memref<32776x64xbf16, #tpu.memory_space<vmem_shared>>
      tpu.enqueue_indirect_dma source(%arg8 : memref<512x64xbf16, #tpu.memory_space<vmem>>) target(%dma_start3A_187 : memref<32776x64xbf16, #tpu.memory_space<vmem_shared>>) offsets(%arg10 : memref<512xi32, #tpu.memory_space<vmem>>) semaphore(%arg15 : memref<!tpu.dma_semaphore, #tpu.memory_space<semaphore_mem>>) {add = true}
      %dma_wait3A_188 = arith.constant 0 : i32
      %dma_wait3A_189 = arith.constant 0 : i32
      %dma_wait3A_190 = tpu.memref_slice %arg11[%dma_wait3A_188, %dma_wait3A_189] : memref<32776x64xbf16, #tpu.memory_space<vmem_shared>> -> memref<32776x64xbf16, #tpu.memory_space<vmem_shared>>
      tpu.wait_indirect_dma semaphore(%arg15 : memref<!tpu.dma_semaphore, #tpu.memory_space<semaphore_mem>>) src(%arg8 : memref<512x64xbf16, #tpu.memory_space<vmem>>) dst(%dma_wait3A_190 : memref<32776x64xbf16, #tpu.memory_space<vmem_shared>>)
      %add3A_191 = arith.constant 4608 : i32
      %add3A_192 = arith.addi %mul3A_0, %add3A_191 : i32
      %dma_start3A_193 = arith.constant 0 : i32
      %dma_start3A_194 = tpu.memref_slice %arg2[%add3A_192, %dma_start3A_193] : memref<114688x64xbf16, #tpu.memory_space<hbm>> -> memref<512x64xbf16, #tpu.memory_space<hbm>>
      %dma_start3A_195 = arith.constant 0 : i32
      %dma_start3A_196 = tpu.memref_slice %arg2[%add3A_192, %dma_start3A_195] : memref<114688x64xbf16, #tpu.memory_space<hbm>> -> memref<512x64xbf16, #tpu.memory_space<hbm>>
      tpu.enqueue_dma source(%dma_start3A_196 : memref<512x64xbf16, #tpu.memory_space<hbm>>) target(%arg8 : memref<512x64xbf16, #tpu.memory_space<vmem>>) target_semaphore(%arg13 : memref<!tpu.dma_semaphore, #tpu.memory_space<semaphore_mem>>)
      %dma_wait3A_197 = arith.constant 0 : i32
      %dma_wait3A_198 = tpu.memref_slice %arg2[%add3A_170, %dma_wait3A_197] : memref<114688x64xbf16, #tpu.memory_space<hbm>> -> memref<512x64xbf16, #tpu.memory_space<hbm>>
      %dma_wait3A_199 = arith.constant 0 : i32
      %dma_wait3A_200 = tpu.memref_slice %arg2[%add3A_170, %dma_wait3A_199] : memref<114688x64xbf16, #tpu.memory_space<hbm>> -> memref<512x64xbf16, #tpu.memory_space<hbm>>
      tpu.wait_dma2 semaphore(%arg12 : memref<!tpu.dma_semaphore, #tpu.memory_space<semaphore_mem>>) src(%dma_wait3A_200 : memref<512x64xbf16, #tpu.memory_space<hbm>>) dst(%arg7 : memref<512x64xbf16, #tpu.memory_space<vmem>>)
      %scan3A_201 = arith.constant 0 : i32
      %scan3A_202 = arith.constant 0 : i32
      %scan3A_203 = arith.constant 32 : i32
      %scan3A_204 = arith.addi %scan3A_202, %scan3A_203 : i32
      %scan3A_205 = arith.constant 1 : i32
      scf.for %scan3A_324 = %scan3A_202 to %scan3A_204 step %scan3A_205  : i32 {
        %mul3A_325 = arith.constant 16 : i32
        %mul3A_326 = arith.muli %scan3A_324, %mul3A_325 : i32
        %add3A_327 = arith.constant 4096 : i32
        %add3A_328 = arith.addi %add3A_327, %mul3A_326 : i32
        %get3A = arith.index_cast %add3A_328 : i32 to index
        %get3A_329 = tpu.vector_load %arg6[%get3A] {strides = array<i32>} : memref<7168xi32, #tpu.memory_space<vmem>>, vector<16xi32>,
        %get3A_330 = vector.shape_cast %get3A_329 : vector<16xi32> to vector<16xi32>
        %sub3A = vector.broadcast %mul3A_10 : i32 to vector<16xi32>
        %sub3A_331 = arith.subi %get3A_330, %sub3A : vector<16xi32>
        %ge3A = arith.constant 0 : i32
        %ge3A_332 = vector.broadcast %ge3A : i32 to vector<16xi32>
        %ge3A_333 = arith.cmpi sge, %sub3A_331, %ge3A_332 : vector<16xi32>
        %lt3A = arith.constant 32768 : i32
        %lt3A_334 = vector.broadcast %lt3A : i32 to vector<16xi32>
        %lt3A_335 = arith.cmpi slt, %sub3A_331, %lt3A_334 : vector<16xi32>
        %and3A = arith.andi %ge3A_333, %lt3A_335 : vector<16xi1>
        %jit3A = arith.constant 32768 : i32
        %broadcast_in_dim3A = vector.broadcast %jit3A : i32 to vector<16xi32>
        %select_n3A = arith.select %and3A, %sub3A_331, %broadcast_in_dim3A : vector<16xi1>, vector<16xi32>
        %mul3A_336 = arith.constant 16 : i32
        %mul3A_337 = arith.muli %scan3A_324, %mul3A_336 : i32
        %swap3A = arith.index_cast %mul3A_337 : i32 to index
        %swap3A_338 = tpu.vector_load %arg9[%swap3A] {strides = array<i32>} : memref<512xi32, #tpu.memory_space<vmem>>, vector<16xi32>,
        %swap3A_339 = vector.shape_cast %swap3A_338 : vector<16xi32> to vector<16xi32>
        %swap3A_340 = vector.shape_cast %select_n3A : vector<16xi32> to vector<16xi32>
        tpu.vector_store %arg9[%swap3A], %swap3A_340 {strides = array<i32>} : memref<512xi32, #tpu.memory_space<vmem>>, vector<16xi32>,
      }
      %scan3A_206 = arith.constant 32 : i32
      %dma_start3A_207 = arith.constant 0 : i32
      %dma_start3A_208 = arith.constant 0 : i32
      %dma_start3A_209 = tpu.memref_slice %arg11[%dma_start3A_207, %dma_start3A_208] : memref<32776x64xbf16, #tpu.memory_space<vmem_shared>> -> memref<32776x64xbf16, #tpu.memory_space<vmem_shared>>
      tpu.enqueue_indirect_dma source(%arg7 : memref<512x64xbf16, #tpu.memory_space<vmem>>) target(%dma_start3A_209 : memref<32776x64xbf16, #tpu.memory_space<vmem_shared>>) offsets(%arg9 : memref<512xi32, #tpu.memory_space<vmem>>) semaphore(%arg14 : memref<!tpu.dma_semaphore, #tpu.memory_space<semaphore_mem>>) {add = true}
      %dma_wait3A_210 = arith.constant 0 : i32
      %dma_wait3A_211 = arith.constant 0 : i32
      %dma_wait3A_212 = tpu.memref_slice %arg11[%dma_wait3A_210, %dma_wait3A_211] : memref<32776x64xbf16, #tpu.memory_space<vmem_shared>> -> memref<32776x64xbf16, #tpu.memory_space<vmem_shared>>
      tpu.wait_indirect_dma semaphore(%arg14 : memref<!tpu.dma_semaphore, #tpu.memory_space<semaphore_mem>>) src(%arg7 : memref<512x64xbf16, #tpu.memory_space<vmem>>) dst(%dma_wait3A_212 : memref<32776x64xbf16, #tpu.memory_space<vmem_shared>>)
      %add3A_213 = arith.constant 5120 : i32
      %add3A_214 = arith.addi %mul3A_0, %add3A_213 : i32
      %dma_start3A_215 = arith.constant 0 : i32
      %dma_start3A_216 = tpu.memref_slice %arg2[%add3A_214, %dma_start3A_215] : memref<114688x64xbf16, #tpu.memory_space<hbm>> -> memref<512x64xbf16, #tpu.memory_space<hbm>>
      %dma_start3A_217 = arith.constant 0 : i32
      %dma_start3A_218 = tpu.memref_slice %arg2[%add3A_214, %dma_start3A_217] : memref<114688x64xbf16, #tpu.memory_space<hbm>> -> memref<512x64xbf16, #tpu.memory_space<hbm>>
      tpu.enqueue_dma source(%dma_start3A_218 : memref<512x64xbf16, #tpu.memory_space<hbm>>) target(%arg7 : memref<512x64xbf16, #tpu.memory_space<vmem>>) target_semaphore(%arg12 : memref<!tpu.dma_semaphore, #tpu.memory_space<semaphore_mem>>)
      %dma_wait3A_219 = arith.constant 0 : i32
      %dma_wait3A_220 = tpu.memref_slice %arg2[%add3A_192, %dma_wait3A_219] : memref<114688x64xbf16, #tpu.memory_space<hbm>> -> memref<512x64xbf16, #tpu.memory_space<hbm>>
      %dma_wait3A_221 = arith.constant 0 : i32
      %dma_wait3A_222 = tpu.memref_slice %arg2[%add3A_192, %dma_wait3A_221] : memref<114688x64xbf16, #tpu.memory_space<hbm>> -> memref<512x64xbf16, #tpu.memory_space<hbm>>
      tpu.wait_dma2 semaphore(%arg13 : memref<!tpu.dma_semaphore, #tpu.memory_space<semaphore_mem>>) src(%dma_wait3A_222 : memref<512x64xbf16, #tpu.memory_space<hbm>>) dst(%arg8 : memref<512x64xbf16, #tpu.memory_space<vmem>>)
      %scan3A_223 = arith.constant 0 : i32
      %scan3A_224 = arith.constant 0 : i32
      %scan3A_225 = arith.constant 32 : i32
      %scan3A_226 = arith.addi %scan3A_224, %scan3A_225 : i32
      %scan3A_227 = arith.constant 1 : i32
      scf.for %scan3A_324 = %scan3A_224 to %scan3A_226 step %scan3A_227  : i32 {
        %mul3A_325 = arith.constant 16 : i32
        %mul3A_326 = arith.muli %scan3A_324, %mul3A_325 : i32
        %add3A_327 = arith.constant 4608 : i32
        %add3A_328 = arith.addi %add3A_327, %mul3A_326 : i32
        %get3A = arith.index_cast %add3A_328 : i32 to index
        %get3A_329 = tpu.vector_load %arg6[%get3A] {strides = array<i32>} : memref<7168xi32, #tpu.memory_space<vmem>>, vector<16xi32>,
        %get3A_330 = vector.shape_cast %get3A_329 : vector<16xi32> to vector<16xi32>
        %sub3A = vector.broadcast %mul3A_10 : i32 to vector<16xi32>
        %sub3A_331 = arith.subi %get3A_330, %sub3A : vector<16xi32>
        %ge3A = arith.constant 0 : i32
        %ge3A_332 = vector.broadcast %ge3A : i32 to vector<16xi32>
        %ge3A_333 = arith.cmpi sge, %sub3A_331, %ge3A_332 : vector<16xi32>
        %lt3A = arith.constant 32768 : i32
        %lt3A_334 = vector.broadcast %lt3A : i32 to vector<16xi32>
        %lt3A_335 = arith.cmpi slt, %sub3A_331, %lt3A_334 : vector<16xi32>
        %and3A = arith.andi %ge3A_333, %lt3A_335 : vector<16xi1>
        %jit3A = arith.constant 32768 : i32
        %broadcast_in_dim3A = vector.broadcast %jit3A : i32 to vector<16xi32>
        %select_n3A = arith.select %and3A, %sub3A_331, %broadcast_in_dim3A : vector<16xi1>, vector<16xi32>
        %mul3A_336 = arith.constant 16 : i32
        %mul3A_337 = arith.muli %scan3A_324, %mul3A_336 : i32
        %swap3A = arith.index_cast %mul3A_337 : i32 to index
        %swap3A_338 = tpu.vector_load %arg10[%swap3A] {strides = array<i32>} : memref<512xi32, #tpu.memory_space<vmem>>, vector<16xi32>,
        %swap3A_339 = vector.shape_cast %swap3A_338 : vector<16xi32> to vector<16xi32>
        %swap3A_340 = vector.shape_cast %select_n3A : vector<16xi32> to vector<16xi32>
        tpu.vector_store %arg10[%swap3A], %swap3A_340 {strides = array<i32>} : memref<512xi32, #tpu.memory_space<vmem>>, vector<16xi32>,
      }
      %scan3A_228 = arith.constant 32 : i32
      %dma_start3A_229 = arith.constant 0 : i32
      %dma_start3A_230 = arith.constant 0 : i32
      %dma_start3A_231 = tpu.memref_slice %arg11[%dma_start3A_229, %dma_start3A_230] : memref<32776x64xbf16, #tpu.memory_space<vmem_shared>> -> memref<32776x64xbf16, #tpu.memory_space<vmem_shared>>
      tpu.enqueue_indirect_dma source(%arg8 : memref<512x64xbf16, #tpu.memory_space<vmem>>) target(%dma_start3A_231 : memref<32776x64xbf16, #tpu.memory_space<vmem_shared>>) offsets(%arg10 : memref<512xi32, #tpu.memory_space<vmem>>) semaphore(%arg15 : memref<!tpu.dma_semaphore, #tpu.memory_space<semaphore_mem>>) {add = true}
      %dma_wait3A_232 = arith.constant 0 : i32
      %dma_wait3A_233 = arith.constant 0 : i32
      %dma_wait3A_234 = tpu.memref_slice %arg11[%dma_wait3A_232, %dma_wait3A_233] : memref<32776x64xbf16, #tpu.memory_space<vmem_shared>> -> memref<32776x64xbf16, #tpu.memory_space<vmem_shared>>
      tpu.wait_indirect_dma semaphore(%arg15 : memref<!tpu.dma_semaphore, #tpu.memory_space<semaphore_mem>>) src(%arg8 : memref<512x64xbf16, #tpu.memory_space<vmem>>) dst(%dma_wait3A_234 : memref<32776x64xbf16, #tpu.memory_space<vmem_shared>>)
      %add3A_235 = arith.constant 5632 : i32
      %add3A_236 = arith.addi %mul3A_0, %add3A_235 : i32
      %dma_start3A_237 = arith.constant 0 : i32
      %dma_start3A_238 = tpu.memref_slice %arg2[%add3A_236, %dma_start3A_237] : memref<114688x64xbf16, #tpu.memory_space<hbm>> -> memref<512x64xbf16, #tpu.memory_space<hbm>>
      %dma_start3A_239 = arith.constant 0 : i32
      %dma_start3A_240 = tpu.memref_slice %arg2[%add3A_236, %dma_start3A_239] : memref<114688x64xbf16, #tpu.memory_space<hbm>> -> memref<512x64xbf16, #tpu.memory_space<hbm>>
      tpu.enqueue_dma source(%dma_start3A_240 : memref<512x64xbf16, #tpu.memory_space<hbm>>) target(%arg8 : memref<512x64xbf16, #tpu.memory_space<vmem>>) target_semaphore(%arg13 : memref<!tpu.dma_semaphore, #tpu.memory_space<semaphore_mem>>)
      %dma_wait3A_241 = arith.constant 0 : i32
      %dma_wait3A_242 = tpu.memref_slice %arg2[%add3A_214, %dma_wait3A_241] : memref<114688x64xbf16, #tpu.memory_space<hbm>> -> memref<512x64xbf16, #tpu.memory_space<hbm>>
      %dma_wait3A_243 = arith.constant 0 : i32
      %dma_wait3A_244 = tpu.memref_slice %arg2[%add3A_214, %dma_wait3A_243] : memref<114688x64xbf16, #tpu.memory_space<hbm>> -> memref<512x64xbf16, #tpu.memory_space<hbm>>
      tpu.wait_dma2 semaphore(%arg12 : memref<!tpu.dma_semaphore, #tpu.memory_space<semaphore_mem>>) src(%dma_wait3A_244 : memref<512x64xbf16, #tpu.memory_space<hbm>>) dst(%arg7 : memref<512x64xbf16, #tpu.memory_space<vmem>>)
      %scan3A_245 = arith.constant 0 : i32
      %scan3A_246 = arith.constant 0 : i32
      %scan3A_247 = arith.constant 32 : i32
      %scan3A_248 = arith.addi %scan3A_246, %scan3A_247 : i32
      %scan3A_249 = arith.constant 1 : i32
      scf.for %scan3A_324 = %scan3A_246 to %scan3A_248 step %scan3A_249  : i32 {
        %mul3A_325 = arith.constant 16 : i32
        %mul3A_326 = arith.muli %scan3A_324, %mul3A_325 : i32
        %add3A_327 = arith.constant 5120 : i32
        %add3A_328 = arith.addi %add3A_327, %mul3A_326 : i32
        %get3A = arith.index_cast %add3A_328 : i32 to index
        %get3A_329 = tpu.vector_load %arg6[%get3A] {strides = array<i32>} : memref<7168xi32, #tpu.memory_space<vmem>>, vector<16xi32>,
        %get3A_330 = vector.shape_cast %get3A_329 : vector<16xi32> to vector<16xi32>
        %sub3A = vector.broadcast %mul3A_10 : i32 to vector<16xi32>
        %sub3A_331 = arith.subi %get3A_330, %sub3A : vector<16xi32>
        %ge3A = arith.constant 0 : i32
        %ge3A_332 = vector.broadcast %ge3A : i32 to vector<16xi32>
        %ge3A_333 = arith.cmpi sge, %sub3A_331, %ge3A_332 : vector<16xi32>
        %lt3A = arith.constant 32768 : i32
        %lt3A_334 = vector.broadcast %lt3A : i32 to vector<16xi32>
        %lt3A_335 = arith.cmpi slt, %sub3A_331, %lt3A_334 : vector<16xi32>
        %and3A = arith.andi %ge3A_333, %lt3A_335 : vector<16xi1>
        %jit3A = arith.constant 32768 : i32
        %broadcast_in_dim3A = vector.broadcast %jit3A : i32 to vector<16xi32>
        %select_n3A = arith.select %and3A, %sub3A_331, %broadcast_in_dim3A : vector<16xi1>, vector<16xi32>
        %mul3A_336 = arith.constant 16 : i32
        %mul3A_337 = arith.muli %scan3A_324, %mul3A_336 : i32
        %swap3A = arith.index_cast %mul3A_337 : i32 to index
        %swap3A_338 = tpu.vector_load %arg9[%swap3A] {strides = array<i32>} : memref<512xi32, #tpu.memory_space<vmem>>, vector<16xi32>,
        %swap3A_339 = vector.shape_cast %swap3A_338 : vector<16xi32> to vector<16xi32>
        %swap3A_340 = vector.shape_cast %select_n3A : vector<16xi32> to vector<16xi32>
        tpu.vector_store %arg9[%swap3A], %swap3A_340 {strides = array<i32>} : memref<512xi32, #tpu.memory_space<vmem>>, vector<16xi32>,
      }
      %scan3A_250 = arith.constant 32 : i32
      %dma_start3A_251 = arith.constant 0 : i32
      %dma_start3A_252 = arith.constant 0 : i32
      %dma_start3A_253 = tpu.memref_slice %arg11[%dma_start3A_251, %dma_start3A_252] : memref<32776x64xbf16, #tpu.memory_space<vmem_shared>> -> memref<32776x64xbf16, #tpu.memory_space<vmem_shared>>
      tpu.enqueue_indirect_dma source(%arg7 : memref<512x64xbf16, #tpu.memory_space<vmem>>) target(%dma_start3A_253 : memref<32776x64xbf16, #tpu.memory_space<vmem_shared>>) offsets(%arg9 : memref<512xi32, #tpu.memory_space<vmem>>) semaphore(%arg14 : memref<!tpu.dma_semaphore, #tpu.memory_space<semaphore_mem>>) {add = true}
      %dma_wait3A_254 = arith.constant 0 : i32
      %dma_wait3A_255 = arith.constant 0 : i32
      %dma_wait3A_256 = tpu.memref_slice %arg11[%dma_wait3A_254, %dma_wait3A_255] : memref<32776x64xbf16, #tpu.memory_space<vmem_shared>> -> memref<32776x64xbf16, #tpu.memory_space<vmem_shared>>
      tpu.wait_indirect_dma semaphore(%arg14 : memref<!tpu.dma_semaphore, #tpu.memory_space<semaphore_mem>>) src(%arg7 : memref<512x64xbf16, #tpu.memory_space<vmem>>) dst(%dma_wait3A_256 : memref<32776x64xbf16, #tpu.memory_space<vmem_shared>>)
      %add3A_257 = arith.constant 6144 : i32
      %add3A_258 = arith.addi %mul3A_0, %add3A_257 : i32
      %dma_start3A_259 = arith.constant 0 : i32
      %dma_start3A_260 = tpu.memref_slice %arg2[%add3A_258, %dma_start3A_259] : memref<114688x64xbf16, #tpu.memory_space<hbm>> -> memref<512x64xbf16, #tpu.memory_space<hbm>>
      %dma_start3A_261 = arith.constant 0 : i32
      %dma_start3A_262 = tpu.memref_slice %arg2[%add3A_258, %dma_start3A_261] : memref<114688x64xbf16, #tpu.memory_space<hbm>> -> memref<512x64xbf16, #tpu.memory_space<hbm>>
      tpu.enqueue_dma source(%dma_start3A_262 : memref<512x64xbf16, #tpu.memory_space<hbm>>) target(%arg7 : memref<512x64xbf16, #tpu.memory_space<vmem>>) target_semaphore(%arg12 : memref<!tpu.dma_semaphore, #tpu.memory_space<semaphore_mem>>)
      %dma_wait3A_263 = arith.constant 0 : i32
      %dma_wait3A_264 = tpu.memref_slice %arg2[%add3A_236, %dma_wait3A_263] : memref<114688x64xbf16, #tpu.memory_space<hbm>> -> memref<512x64xbf16, #tpu.memory_space<hbm>>
      %dma_wait3A_265 = arith.constant 0 : i32
      %dma_wait3A_266 = tpu.memref_slice %arg2[%add3A_236, %dma_wait3A_265] : memref<114688x64xbf16, #tpu.memory_space<hbm>> -> memref<512x64xbf16, #tpu.memory_space<hbm>>
      tpu.wait_dma2 semaphore(%arg13 : memref<!tpu.dma_semaphore, #tpu.memory_space<semaphore_mem>>) src(%dma_wait3A_266 : memref<512x64xbf16, #tpu.memory_space<hbm>>) dst(%arg8 : memref<512x64xbf16, #tpu.memory_space<vmem>>)
      %scan3A_267 = arith.constant 0 : i32
      %scan3A_268 = arith.constant 0 : i32
      %scan3A_269 = arith.constant 32 : i32
      %scan3A_270 = arith.addi %scan3A_268, %scan3A_269 : i32
      %scan3A_271 = arith.constant 1 : i32
      scf.for %scan3A_324 = %scan3A_268 to %scan3A_270 step %scan3A_271  : i32 {
        %mul3A_325 = arith.constant 16 : i32
        %mul3A_326 = arith.muli %scan3A_324, %mul3A_325 : i32
        %add3A_327 = arith.constant 5632 : i32
        %add3A_328 = arith.addi %add3A_327, %mul3A_326 : i32
        %get3A = arith.index_cast %add3A_328 : i32 to index
        %get3A_329 = tpu.vector_load %arg6[%get3A] {strides = array<i32>} : memref<7168xi32, #tpu.memory_space<vmem>>, vector<16xi32>,
        %get3A_330 = vector.shape_cast %get3A_329 : vector<16xi32> to vector<16xi32>
        %sub3A = vector.broadcast %mul3A_10 : i32 to vector<16xi32>
        %sub3A_331 = arith.subi %get3A_330, %sub3A : vector<16xi32>
        %ge3A = arith.constant 0 : i32
        %ge3A_332 = vector.broadcast %ge3A : i32 to vector<16xi32>
        %ge3A_333 = arith.cmpi sge, %sub3A_331, %ge3A_332 : vector<16xi32>
        %lt3A = arith.constant 32768 : i32
        %lt3A_334 = vector.broadcast %lt3A : i32 to vector<16xi32>
        %lt3A_335 = arith.cmpi slt, %sub3A_331, %lt3A_334 : vector<16xi32>
        %and3A = arith.andi %ge3A_333, %lt3A_335 : vector<16xi1>
        %jit3A = arith.constant 32768 : i32
        %broadcast_in_dim3A = vector.broadcast %jit3A : i32 to vector<16xi32>
        %select_n3A = arith.select %and3A, %sub3A_331, %broadcast_in_dim3A : vector<16xi1>, vector<16xi32>
        %mul3A_336 = arith.constant 16 : i32
        %mul3A_337 = arith.muli %scan3A_324, %mul3A_336 : i32
        %swap3A = arith.index_cast %mul3A_337 : i32 to index
        %swap3A_338 = tpu.vector_load %arg10[%swap3A] {strides = array<i32>} : memref<512xi32, #tpu.memory_space<vmem>>, vector<16xi32>,
        %swap3A_339 = vector.shape_cast %swap3A_338 : vector<16xi32> to vector<16xi32>
        %swap3A_340 = vector.shape_cast %select_n3A : vector<16xi32> to vector<16xi32>
        tpu.vector_store %arg10[%swap3A], %swap3A_340 {strides = array<i32>} : memref<512xi32, #tpu.memory_space<vmem>>, vector<16xi32>,
      }
      %scan3A_272 = arith.constant 32 : i32
      %dma_start3A_273 = arith.constant 0 : i32
      %dma_start3A_274 = arith.constant 0 : i32
      %dma_start3A_275 = tpu.memref_slice %arg11[%dma_start3A_273, %dma_start3A_274] : memref<32776x64xbf16, #tpu.memory_space<vmem_shared>> -> memref<32776x64xbf16, #tpu.memory_space<vmem_shared>>
      tpu.enqueue_indirect_dma source(%arg8 : memref<512x64xbf16, #tpu.memory_space<vmem>>) target(%dma_start3A_275 : memref<32776x64xbf16, #tpu.memory_space<vmem_shared>>) offsets(%arg10 : memref<512xi32, #tpu.memory_space<vmem>>) semaphore(%arg15 : memref<!tpu.dma_semaphore, #tpu.memory_space<semaphore_mem>>) {add = true}
      %dma_wait3A_276 = arith.constant 0 : i32
      %dma_wait3A_277 = arith.constant 0 : i32
      %dma_wait3A_278 = tpu.memref_slice %arg11[%dma_wait3A_276, %dma_wait3A_277] : memref<32776x64xbf16, #tpu.memory_space<vmem_shared>> -> memref<32776x64xbf16, #tpu.memory_space<vmem_shared>>
      tpu.wait_indirect_dma semaphore(%arg15 : memref<!tpu.dma_semaphore, #tpu.memory_space<semaphore_mem>>) src(%arg8 : memref<512x64xbf16, #tpu.memory_space<vmem>>) dst(%dma_wait3A_278 : memref<32776x64xbf16, #tpu.memory_space<vmem_shared>>)
      %add3A_279 = arith.constant 6656 : i32
      %add3A_280 = arith.addi %mul3A_0, %add3A_279 : i32
      %dma_start3A_281 = arith.constant 0 : i32
      %dma_start3A_282 = tpu.memref_slice %arg2[%add3A_280, %dma_start3A_281] : memref<114688x64xbf16, #tpu.memory_space<hbm>> -> memref<512x64xbf16, #tpu.memory_space<hbm>>
      %dma_start3A_283 = arith.constant 0 : i32
      %dma_start3A_284 = tpu.memref_slice %arg2[%add3A_280, %dma_start3A_283] : memref<114688x64xbf16, #tpu.memory_space<hbm>> -> memref<512x64xbf16, #tpu.memory_space<hbm>>
      tpu.enqueue_dma source(%dma_start3A_284 : memref<512x64xbf16, #tpu.memory_space<hbm>>) target(%arg8 : memref<512x64xbf16, #tpu.memory_space<vmem>>) target_semaphore(%arg13 : memref<!tpu.dma_semaphore, #tpu.memory_space<semaphore_mem>>)
      %dma_wait3A_285 = arith.constant 0 : i32
      %dma_wait3A_286 = tpu.memref_slice %arg2[%add3A_258, %dma_wait3A_285] : memref<114688x64xbf16, #tpu.memory_space<hbm>> -> memref<512x64xbf16, #tpu.memory_space<hbm>>
      %dma_wait3A_287 = arith.constant 0 : i32
      %dma_wait3A_288 = tpu.memref_slice %arg2[%add3A_258, %dma_wait3A_287] : memref<114688x64xbf16, #tpu.memory_space<hbm>> -> memref<512x64xbf16, #tpu.memory_space<hbm>>
      tpu.wait_dma2 semaphore(%arg12 : memref<!tpu.dma_semaphore, #tpu.memory_space<semaphore_mem>>) src(%dma_wait3A_288 : memref<512x64xbf16, #tpu.memory_space<hbm>>) dst(%arg7 : memref<512x64xbf16, #tpu.memory_space<vmem>>)
      %scan3A_289 = arith.constant 0 : i32
      %scan3A_290 = arith.constant 0 : i32
      %scan3A_291 = arith.constant 32 : i32
      %scan3A_292 = arith.addi %scan3A_290, %scan3A_291 : i32
      %scan3A_293 = arith.constant 1 : i32
      scf.for %scan3A_324 = %scan3A_290 to %scan3A_292 step %scan3A_293  : i32 {
        %mul3A_325 = arith.constant 16 : i32
        %mul3A_326 = arith.muli %scan3A_324, %mul3A_325 : i32
        %add3A_327 = arith.constant 6144 : i32
        %add3A_328 = arith.addi %add3A_327, %mul3A_326 : i32
        %get3A = arith.index_cast %add3A_328 : i32 to index
        %get3A_329 = tpu.vector_load %arg6[%get3A] {strides = array<i32>} : memref<7168xi32, #tpu.memory_space<vmem>>, vector<16xi32>,
        %get3A_330 = vector.shape_cast %get3A_329 : vector<16xi32> to vector<16xi32>
        %sub3A = vector.broadcast %mul3A_10 : i32 to vector<16xi32>
        %sub3A_331 = arith.subi %get3A_330, %sub3A : vector<16xi32>
        %ge3A = arith.constant 0 : i32
        %ge3A_332 = vector.broadcast %ge3A : i32 to vector<16xi32>
        %ge3A_333 = arith.cmpi sge, %sub3A_331, %ge3A_332 : vector<16xi32>
        %lt3A = arith.constant 32768 : i32
        %lt3A_334 = vector.broadcast %lt3A : i32 to vector<16xi32>
        %lt3A_335 = arith.cmpi slt, %sub3A_331, %lt3A_334 : vector<16xi32>
        %and3A = arith.andi %ge3A_333, %lt3A_335 : vector<16xi1>
        %jit3A = arith.constant 32768 : i32
        %broadcast_in_dim3A = vector.broadcast %jit3A : i32 to vector<16xi32>
        %select_n3A = arith.select %and3A, %sub3A_331, %broadcast_in_dim3A : vector<16xi1>, vector<16xi32>
        %mul3A_336 = arith.constant 16 : i32
        %mul3A_337 = arith.muli %scan3A_324, %mul3A_336 : i32
        %swap3A = arith.index_cast %mul3A_337 : i32 to index
        %swap3A_338 = tpu.vector_load %arg9[%swap3A] {strides = array<i32>} : memref<512xi32, #tpu.memory_space<vmem>>, vector<16xi32>,
        %swap3A_339 = vector.shape_cast %swap3A_338 : vector<16xi32> to vector<16xi32>
        %swap3A_340 = vector.shape_cast %select_n3A : vector<16xi32> to vector<16xi32>
        tpu.vector_store %arg9[%swap3A], %swap3A_340 {strides = array<i32>} : memref<512xi32, #tpu.memory_space<vmem>>, vector<16xi32>,
      }
      %scan3A_294 = arith.constant 32 : i32
      %dma_start3A_295 = arith.constant 0 : i32
      %dma_start3A_296 = arith.constant 0 : i32
      %dma_start3A_297 = tpu.memref_slice %arg11[%dma_start3A_295, %dma_start3A_296] : memref<32776x64xbf16, #tpu.memory_space<vmem_shared>> -> memref<32776x64xbf16, #tpu.memory_space<vmem_shared>>
      tpu.enqueue_indirect_dma source(%arg7 : memref<512x64xbf16, #tpu.memory_space<vmem>>) target(%dma_start3A_297 : memref<32776x64xbf16, #tpu.memory_space<vmem_shared>>) offsets(%arg9 : memref<512xi32, #tpu.memory_space<vmem>>) semaphore(%arg14 : memref<!tpu.dma_semaphore, #tpu.memory_space<semaphore_mem>>) {add = true}
      %dma_wait3A_298 = arith.constant 0 : i32
      %dma_wait3A_299 = tpu.memref_slice %arg2[%add3A_280, %dma_wait3A_298] : memref<114688x64xbf16, #tpu.memory_space<hbm>> -> memref<512x64xbf16, #tpu.memory_space<hbm>>
      %dma_wait3A_300 = arith.constant 0 : i32
      %dma_wait3A_301 = tpu.memref_slice %arg2[%add3A_280, %dma_wait3A_300] : memref<114688x64xbf16, #tpu.memory_space<hbm>> -> memref<512x64xbf16, #tpu.memory_space<hbm>>
      tpu.wait_dma2 semaphore(%arg13 : memref<!tpu.dma_semaphore, #tpu.memory_space<semaphore_mem>>) src(%dma_wait3A_301 : memref<512x64xbf16, #tpu.memory_space<hbm>>) dst(%arg8 : memref<512x64xbf16, #tpu.memory_space<vmem>>)
      %scan3A_302 = arith.constant 0 : i32
      %scan3A_303 = arith.constant 0 : i32
      %scan3A_304 = arith.constant 32 : i32
      %scan3A_305 = arith.addi %scan3A_303, %scan3A_304 : i32
      %scan3A_306 = arith.constant 1 : i32
      scf.for %scan3A_324 = %scan3A_303 to %scan3A_305 step %scan3A_306  : i32 {
        %mul3A_325 = arith.constant 16 : i32
        %mul3A_326 = arith.muli %scan3A_324, %mul3A_325 : i32
        %add3A_327 = arith.constant 6656 : i32
        %add3A_328 = arith.addi %add3A_327, %mul3A_326 : i32
        %get3A = arith.index_cast %add3A_328 : i32 to index
        %get3A_329 = tpu.vector_load %arg6[%get3A] {strides = array<i32>} : memref<7168xi32, #tpu.memory_space<vmem>>, vector<16xi32>,
        %get3A_330 = vector.shape_cast %get3A_329 : vector<16xi32> to vector<16xi32>
        %sub3A = vector.broadcast %mul3A_10 : i32 to vector<16xi32>
        %sub3A_331 = arith.subi %get3A_330, %sub3A : vector<16xi32>
        %ge3A = arith.constant 0 : i32
        %ge3A_332 = vector.broadcast %ge3A : i32 to vector<16xi32>
        %ge3A_333 = arith.cmpi sge, %sub3A_331, %ge3A_332 : vector<16xi32>
        %lt3A = arith.constant 32768 : i32
        %lt3A_334 = vector.broadcast %lt3A : i32 to vector<16xi32>
        %lt3A_335 = arith.cmpi slt, %sub3A_331, %lt3A_334 : vector<16xi32>
        %and3A = arith.andi %ge3A_333, %lt3A_335 : vector<16xi1>
        %jit3A = arith.constant 32768 : i32
        %broadcast_in_dim3A = vector.broadcast %jit3A : i32 to vector<16xi32>
        %select_n3A = arith.select %and3A, %sub3A_331, %broadcast_in_dim3A : vector<16xi1>, vector<16xi32>
        %mul3A_336 = arith.constant 16 : i32
        %mul3A_337 = arith.muli %scan3A_324, %mul3A_336 : i32
        %swap3A = arith.index_cast %mul3A_337 : i32 to index
        %swap3A_338 = tpu.vector_load %arg10[%swap3A] {strides = array<i32>} : memref<512xi32, #tpu.memory_space<vmem>>, vector<16xi32>,
        %swap3A_339 = vector.shape_cast %swap3A_338 : vector<16xi32> to vector<16xi32>
        %swap3A_340 = vector.shape_cast %select_n3A : vector<16xi32> to vector<16xi32>
        tpu.vector_store %arg10[%swap3A], %swap3A_340 {strides = array<i32>} : memref<512xi32, #tpu.memory_space<vmem>>, vector<16xi32>,
      }
      %scan3A_307 = arith.constant 32 : i32
      %dma_start3A_308 = arith.constant 0 : i32
      %dma_start3A_309 = arith.constant 0 : i32
      %dma_start3A_310 = tpu.memref_slice %arg11[%dma_start3A_308, %dma_start3A_309] : memref<32776x64xbf16, #tpu.memory_space<vmem_shared>> -> memref<32776x64xbf16, #tpu.memory_space<vmem_shared>>
      tpu.enqueue_indirect_dma source(%arg8 : memref<512x64xbf16, #tpu.memory_space<vmem>>) target(%dma_start3A_310 : memref<32776x64xbf16, #tpu.memory_space<vmem_shared>>) offsets(%arg10 : memref<512xi32, #tpu.memory_space<vmem>>) semaphore(%arg15 : memref<!tpu.dma_semaphore, #tpu.memory_space<semaphore_mem>>) {add = true}
      %dma_wait3A_311 = arith.constant 0 : i32
      %dma_wait3A_312 = arith.constant 0 : i32
      %dma_wait3A_313 = tpu.memref_slice %arg11[%dma_wait3A_311, %dma_wait3A_312] : memref<32776x64xbf16, #tpu.memory_space<vmem_shared>> -> memref<32776x64xbf16, #tpu.memory_space<vmem_shared>>
      tpu.wait_indirect_dma semaphore(%arg14 : memref<!tpu.dma_semaphore, #tpu.memory_space<semaphore_mem>>) src(%arg7 : memref<512x64xbf16, #tpu.memory_space<vmem>>) dst(%dma_wait3A_313 : memref<32776x64xbf16, #tpu.memory_space<vmem_shared>>)
      %dma_wait3A_314 = arith.constant 0 : i32
      %dma_wait3A_315 = arith.constant 0 : i32
      %dma_wait3A_316 = tpu.memref_slice %arg11[%dma_wait3A_314, %dma_wait3A_315] : memref<32776x64xbf16, #tpu.memory_space<vmem_shared>> -> memref<32776x64xbf16, #tpu.memory_space<vmem_shared>>
      tpu.wait_indirect_dma semaphore(%arg15 : memref<!tpu.dma_semaphore, #tpu.memory_space<semaphore_mem>>) src(%arg8 : memref<512x64xbf16, #tpu.memory_space<vmem>>) dst(%dma_wait3A_316 : memref<32776x64xbf16, #tpu.memory_space<vmem_shared>>)
      %barrier3A_317 = arith.constant 0 : index
      tpu.barrier barrier_id(%barrier3A_317)
      %mul3A_318 = arith.constant 2048 : i32
      %mul3A_319 = arith.muli %arg1, %mul3A_318 : i32
      %mul3A_320 = arith.constant 2048 : i32
      %mul3A_321 = arith.muli %arg1, %mul3A_320 : i32
      %add3A_322 = arith.addi %mul3A_10, %mul3A_321 : i32
      "tpu.region"() ({
        %run_scoped3A = tpu.sem_alloc : memref<!tpu.dma_semaphore, #tpu.memory_space<semaphore_mem>>
        %dma_start3A_324 = arith.constant 0 : i32
        %dma_start3A_325 = tpu.memref_slice %arg5[%add3A_322, %dma_start3A_324] : memref<262144x64xbf16, #tpu.memory_space<hbm>> -> memref<2048x64xbf16, #tpu.memory_space<hbm>>
        %dma_start3A_326 = arith.constant 0 : i32
        %dma_start3A_327 = tpu.memref_slice %arg11[%mul3A_319, %dma_start3A_326] : memref<32776x64xbf16, #tpu.memory_space<vmem_shared>> -> memref<2048x64xbf16, #tpu.memory_space<vmem_shared>>
        tpu.enqueue_dma source(%dma_start3A_327 : memref<2048x64xbf16, #tpu.memory_space<vmem_shared>>) target(%dma_start3A_325 : memref<2048x64xbf16, #tpu.memory_space<hbm>>) target_semaphore(%run_scoped3A : memref<!tpu.dma_semaphore, #tpu.memory_space<semaphore_mem>>)
        %dma_wait3A_328 = arith.constant 0 : i32
        %dma_wait3A_329 = tpu.memref_slice %arg5[%add3A_322, %dma_wait3A_328] : memref<262144x64xbf16, #tpu.memory_space<hbm>> -> memref<2048x64xbf16, #tpu.memory_space<hbm>>
        %dma_wait3A_330 = arith.constant 0 : i32
        %dma_wait3A_331 = tpu.memref_slice %arg11[%mul3A_319, %dma_wait3A_330] : memref<32776x64xbf16, #tpu.memory_space<vmem_shared>> -> memref<2048x64xbf16, #tpu.memory_space<vmem_shared>>
        tpu.wait_dma2 semaphore(%run_scoped3A : memref<!tpu.dma_semaphore, #tpu.memory_space<semaphore_mem>>) src(%dma_wait3A_331 : memref<2048x64xbf16, #tpu.memory_space<vmem_shared>>) dst(%dma_wait3A_329 : memref<2048x64xbf16, #tpu.memory_space<hbm>>)
        tpu.yield
      }) : () -> ()
      %barrier3A_323 = arith.constant 0 : index
      tpu.barrier barrier_id(%barrier3A_323)
    }
    %scan3A_5 = arith.constant 4 : i32
    return
  }
}

module attributes {stable_mosaic.version = 14 : i64} {
  func.func @body(%arg0: i32, %arg1: memref<1024x64xf32, #tpu.memory_space<vmem>>, %arg2: memref<1024xi32, #tpu.memory_space<vmem>>, %arg3: memref<1024xi32, #tpu.memory_space<vmem>>, %arg4: memref<1024xi32, #tpu.memory_space<vmem>>, %arg5: memref<1024xi32, #tpu.memory_space<vmem>>, %arg6: memref<1024x64xbf16, #tpu.memory_space<vmem>>, %arg7: memref<1024x64xbf16, #tpu.memory_space<vmem>>, %arg8: memref<1024xi32, #tpu.memory_space<vmem>>) attributes {dimension_semantics = [#tpu.dimension_semantics<arbitrary>], iteration_bounds = array<i64: 112>, scalar_prefetch = 0 : i64, scratch_operands = 0 : i64, tpu.core_type = #tpu.core_type<tc>, window_params = [{transform_indices = @transform_0, window_bounds = array<i64: 1024, 64>}, {transform_indices = @transform_1, window_bounds = array<i64: 1024>}, {transform_indices = @transform_2, window_bounds = array<i64: 1024>}, {transform_indices = @transform_3, window_bounds = array<i64: 1024>}, {transform_indices = @transform_4, window_bounds = array<i64: 1024>}, {pipeline_mode = #tpu.pipeline_mode<synchronous>, transform_indices = @transform_5, window_bounds = array<i64: 1024, 64>}, {transform_indices = @transform_6, window_bounds = array<i64: 1024, 64>}, {transform_indices = @transform_7, window_bounds = array<i64: 1024>}]} {
    %get3A = arith.constant 0 : index
    %get3A_0 = arith.constant 0 : index
    %get3A_1 = vector.load %arg1[%get3A, %get3A_0] : memref<1024x64xf32, #tpu.memory_space<vmem>>, vector<1024x64xf32>
    %convert_element_type3A = arith.truncf %get3A_1 : vector<1024x64xf32> to vector<1024x64xbf16>
    %get3A_2 = arith.constant 0 : index
    %get3A_3 = vector.load %arg2[%get3A_2] : memref<1024xi32, #tpu.memory_space<vmem>>, vector<1024xi32>
    %reshape3A = vector.shape_cast %get3A_3 : vector<1024xi32> to vector<1024x1xi32>
    %iota3A = tpu.iota {dimensions = array<i32: 1>} : vector<1x16xi32>
    %eq3A = vector.broadcast %reshape3A : vector<1024x1xi32> to vector<1024x16xi32>
    %eq3A_4 = vector.broadcast %iota3A : vector<1x16xi32> to vector<1024x16xi32>
    %eq3A_5 = arith.cmpi eq, %eq3A, %eq3A_4 : vector<1024x16xi32>
    %convert_element_type3A_6 = arith.extui %eq3A_5 : vector<1024x16xi1> to vector<1024x16xi32>
    %convert_element_type3A_7 = arith.sitofp %convert_element_type3A_6 : vector<1024x16xi32> to vector<1024x16xf32>
    %convert_element_type3A_8 = arith.truncf %convert_element_type3A_7 : vector<1024x16xf32> to vector<1024x16xbf16>
    %iota3A_9 = tpu.iota {dimensions = array<i32: 0>} : vector<16x1024xi32>
    %iota3A_10 = tpu.iota {dimensions = array<i32: 1>} : vector<16x1024xi32>
    %jit3A = arith.constant 64 : i32
    %div3A = vector.broadcast %jit3A : i32 to vector<16x1024xi32>
    %div3A_11 = arith.divsi %iota3A_10, %div3A : vector<16x1024xi32>
    %sign3A = arith.constant 0 : i32
    %sign3A_12 = vector.broadcast %sign3A : i32 to vector<16x1024xi32>
    %sign3A_13 = arith.cmpi sgt, %iota3A_10, %sign3A_12 : vector<16x1024xi32>
    %sign3A_14 = arith.extui %sign3A_13 : vector<16x1024xi1> to vector<16x1024xi32>
    %sign3A_15 = arith.constant 0 : i32
    %sign3A_16 = vector.broadcast %sign3A_15 : i32 to vector<16x1024xi32>
    %sign3A_17 = arith.cmpi slt, %iota3A_10, %sign3A_16 : vector<16x1024xi32>
    %sign3A_18 = arith.extui %sign3A_17 : vector<16x1024xi1> to vector<16x1024xi32>
    %sign3A_19 = arith.subi %sign3A_14, %sign3A_18 : vector<16x1024xi32>
    %sign3A_20 = arith.constant 0 : i32
    %sign3A_21 = arith.cmpi sgt, %jit3A, %sign3A_20 : i32
    %sign3A_22 = arith.extui %sign3A_21 : i1 to i32
    %sign3A_23 = arith.constant 0 : i32
    %sign3A_24 = arith.cmpi slt, %jit3A, %sign3A_23 : i32
    %sign3A_25 = arith.extui %sign3A_24 : i1 to i32
    %sign3A_26 = arith.subi %sign3A_22, %sign3A_25 : i32
    %ne3A = vector.broadcast %sign3A_26 : i32 to vector<16x1024xi32>
    %ne3A_27 = arith.cmpi ne, %sign3A_19, %ne3A : vector<16x1024xi32>
    %rem3A = vector.broadcast %jit3A : i32 to vector<16x1024xi32>
    %rem3A_28 = arith.remsi %iota3A_10, %rem3A : vector<16x1024xi32>
    %ne3A_29 = arith.constant 0 : i32
    %ne3A_30 = vector.broadcast %ne3A_29 : i32 to vector<16x1024xi32>
    %ne3A_31 = arith.cmpi ne, %rem3A_28, %ne3A_30 : vector<16x1024xi32>
    %and3A = arith.andi %ne3A_27, %ne3A_31 : vector<16x1024xi1>
    %sub3A = arith.constant 1 : i32
    %sub3A_32 = vector.broadcast %sub3A : i32 to vector<16x1024xi32>
    %sub3A_33 = arith.subi %div3A_11, %sub3A_32 : vector<16x1024xi32>
    %select_n3A = arith.select %and3A, %sub3A_33, %div3A_11 : vector<16x1024xi1>, vector<16x1024xi32>
    %eq3A_34 = arith.cmpi eq, %iota3A_9, %select_n3A : vector<16x1024xi32>
    %convert_element_type3A_35 = arith.extui %eq3A_34 : vector<16x1024xi1> to vector<16x1024xi32>
    %convert_element_type3A_36 = arith.sitofp %convert_element_type3A_35 : vector<16x1024xi32> to vector<16x1024xf32>
    %convert_element_type3A_37 = arith.truncf %convert_element_type3A_36 : vector<16x1024xf32> to vector<16x1024xbf16>
    %dot_general3A = arith.constant dense<0.000000e+00> : vector<1024x1024xf32>
    %dot_general3A_38 = tpu.matmul %convert_element_type3A_8, %convert_element_type3A_37, %dot_general3A {dimension_numbers = #tpu.dot_dimension_numbers<[1], [0], [0], [1], [0, 0, 1, 1], [], []>, transpose_lhs_hint = false} : vector<1024x16xbf16>, vector<16x1024xbf16>, vector<1024x1024xf32> -> vector<1024x1024xf32>
    %convert_element_type3A_39 = arith.truncf %dot_general3A_38 : vector<1024x1024xf32> to vector<1024x1024xbf16>
    %concatenate3A = tpu.concatenate %convert_element_type3A, %convert_element_type3A, %convert_element_type3A, %convert_element_type3A, %convert_element_type3A, %convert_element_type3A, %convert_element_type3A, %convert_element_type3A, %convert_element_type3A, %convert_element_type3A, %convert_element_type3A, %convert_element_type3A, %convert_element_type3A, %convert_element_type3A, %convert_element_type3A, %convert_element_type3A in 1 : vector<1024x64xbf16>, vector<1024x64xbf16>, vector<1024x64xbf16>, vector<1024x64xbf16>, vector<1024x64xbf16>, vector<1024x64xbf16>, vector<1024x64xbf16>, vector<1024x64xbf16>, vector<1024x64xbf16>, vector<1024x64xbf16>, vector<1024x64xbf16>, vector<1024x64xbf16>, vector<1024x64xbf16>, vector<1024x64xbf16>, vector<1024x64xbf16>, vector<1024x64xbf16> -> vector<1024x1024xbf16>
    %mul3A = arith.mulf %concatenate3A, %convert_element_type3A_39 : vector<1024x1024xbf16>
    %get3A_40 = arith.constant 0 : index
    %get3A_41 = arith.constant 0 : index
    %get3A_42 = vector.load %arg6[%get3A_40, %get3A_41] : memref<1024x64xbf16, #tpu.memory_space<vmem>>, vector<1024x64xbf16>
    %dot_general3A_43 = arith.constant dense<0.000000e+00> : vector<1024x64xf32>
    %dot_general3A_44 = tpu.matmul %mul3A, %get3A_42, %dot_general3A_43 {dimension_numbers = #tpu.dot_dimension_numbers<[1], [0], [0], [1], [0, 0, 1, 1], [], []>, transpose_lhs_hint = false} : vector<1024x1024xbf16>, vector<1024x64xbf16>, vector<1024x64xf32> -> vector<1024x64xf32>
    %convert_element_type3A_45 = arith.truncf %dot_general3A_44 : vector<1024x64xf32> to vector<1024x64xbf16>
    %swap3A = arith.constant 0 : index
    %swap3A_46 = arith.constant 0 : index
    %swap3A_47 = vector.load %arg7[%swap3A, %swap3A_46] : memref<1024x64xbf16, #tpu.memory_space<vmem>>, vector<1024x64xbf16>
    tpu.vector_store %arg7[%swap3A, %swap3A_46], %convert_element_type3A_45 {strides = array<i32>} : memref<1024x64xbf16, #tpu.memory_space<vmem>>, vector<1024x64xbf16>,
    %mul3A_48 = arith.constant 1024 : i32
    %mul3A_49 = arith.muli %arg0, %mul3A_48 : i32
    %iota3A_50 = tpu.iota {dimensions = array<i32: 1>} : vector<1x1024xi32>
    %iota3A_51 = vector.shape_cast %iota3A_50 : vector<1x1024xi32> to vector<1024xi32>
    %add3A = vector.broadcast %mul3A_49 : i32 to vector<1024xi32>
    %add3A_52 = arith.addi %add3A, %iota3A_51 : vector<1024xi32>
    %get3A_53 = arith.constant 0 : index
    %get3A_54 = vector.load %arg5[%get3A_53] : memref<1024xi32, #tpu.memory_space<vmem>>, vector<1024xi32>
    %mul3A_55 = arith.constant 65536 : i32
    %mul3A_56 = vector.broadcast %mul3A_55 : i32 to vector<1024xi32>
    %mul3A_57 = arith.muli %get3A_54, %mul3A_56 : vector<1024xi32>
    %get3A_58 = arith.constant 0 : index
    %get3A_59 = vector.load %arg3[%get3A_58] : memref<1024xi32, #tpu.memory_space<vmem>>, vector<1024xi32>
    %mul3A_60 = arith.constant 256 : i32
    %mul3A_61 = vector.broadcast %mul3A_60 : i32 to vector<1024xi32>
    %mul3A_62 = arith.muli %get3A_59, %mul3A_61 : vector<1024xi32>
    %add3A_63 = arith.addi %mul3A_57, %mul3A_62 : vector<1024xi32>
    %get3A_64 = arith.constant 0 : index
    %get3A_65 = vector.load %arg4[%get3A_64] : memref<1024xi32, #tpu.memory_space<vmem>>, vector<1024xi32>
    %add3A_66 = arith.addi %add3A_63, %get3A_65 : vector<1024xi32>
    %lt3A = arith.constant 100000 : i32
    %lt3A_67 = vector.broadcast %lt3A : i32 to vector<1024xi32>
    %lt3A_68 = arith.cmpi slt, %add3A_52, %lt3A_67 : vector<1024xi32>
    %jit3A_69 = arith.constant -1 : i32
    %broadcast_in_dim3A = vector.broadcast %jit3A_69 : i32 to vector<1024xi32>
    %select_n3A_70 = arith.select %lt3A_68, %add3A_66, %broadcast_in_dim3A : vector<1024xi1>, vector<1024xi32>
    %swap3A_71 = arith.constant 0 : index
    %swap3A_72 = vector.load %arg8[%swap3A_71] : memref<1024xi32, #tpu.memory_space<vmem>>, vector<1024xi32>
    tpu.vector_store %arg8[%swap3A_71], %select_n3A_70 {strides = array<i32>} : memref<1024xi32, #tpu.memory_space<vmem>>, vector<1024xi32>,
    return
  }
  func.func @transform_0(%arg0: i32) -> (i32, i32) {
    %min3A = arith.constant 97 : i32
    %min3A_0 = arith.minsi %arg0, %min3A : i32
    %c0_i32 = arith.constant 0 : i32
    %c0_i32_1 = arith.constant 0 : i32
    return %min3A_0, %c0_i32 : i32, i32
  }
  func.func @transform_1(%arg0: i32) -> i32 {
    %min3A = arith.constant 97 : i32
    %min3A_0 = arith.minsi %arg0, %min3A : i32
    %c0_i32 = arith.constant 0 : i32
    return %min3A_0 : i32
  }
  func.func @transform_2(%arg0: i32) -> i32 {
    %min3A = arith.constant 97 : i32
    %min3A_0 = arith.minsi %arg0, %min3A : i32
    %c0_i32 = arith.constant 0 : i32
    return %min3A_0 : i32
  }
  func.func @transform_3(%arg0: i32) -> i32 {
    %min3A = arith.constant 97 : i32
    %min3A_0 = arith.minsi %arg0, %min3A : i32
    %c0_i32 = arith.constant 0 : i32
    return %min3A_0 : i32
  }
  func.func @transform_4(%arg0: i32) -> i32 {
    %min3A = arith.constant 97 : i32
    %min3A_0 = arith.minsi %arg0, %min3A : i32
    %c0_i32 = arith.constant 0 : i32
    return %min3A_0 : i32
  }
  func.func @transform_5(%arg0: i32) -> (i32, i32) {
    %c0_i32 = arith.constant 0 : i32
    %c0_i32_0 = arith.constant 0 : i32
    %c0_i32_1 = arith.constant 0 : i32
    return %c0_i32, %c0_i32_0 : i32, i32
  }
  func.func @transform_6(%arg0: i32) -> (i32, i32) {
    %c0_i32 = arith.constant 0 : i32
    %c0_i32_0 = arith.constant 0 : i32
    return %arg0, %c0_i32 : i32, i32
  }
  func.func @transform_7(%arg0: i32) -> i32 {
    %c0_i32 = arith.constant 0 : i32
    return %arg0 : i32
  }
}

module attributes {stable_mosaic.version = 14 : i64} {
  func.func @body(%arg0: i32, %arg1: i32, %arg2: memref<4096x64xbf16, #tpu.memory_space<vmem>>, %arg3: memref<1x64x16x256xf32, #tpu.memory_space<vmem>>) attributes {dimension_semantics = [#tpu.dimension_semantics<arbitrary>, #tpu.dimension_semantics<arbitrary>], iteration_bounds = array<i64: 4, 16>, scalar_prefetch = 0 : i64, scratch_operands = 0 : i64, tpu.core_type = #tpu.core_type<tc>, window_params = [{transform_indices = @transform_0, window_bounds = array<i64: 4096, 64>}, {transform_indices = @transform_1, window_bounds = array<i64: 1, 64, 16, 256>}]} {
    %get3A = arith.constant 0 : index
    %get3A_0 = arith.constant 0 : index
    %get3A_1 = vector.load %arg2[%get3A, %get3A_0] : memref<4096x64xbf16, #tpu.memory_space<vmem>>, vector<4096x64xbf16>
    %convert_element_type3A = arith.extf %get3A_1 : vector<4096x64xbf16> to vector<4096x64xf32>
    %transpose3A = tpu.transpose %convert_element_type3A, [1, 0] : vector<4096x64xf32> -> vector<64x4096xf32>
    %reshape3A = vector.shape_cast %transpose3A : vector<64x4096xf32> to vector<1x64x16x256xf32>
    %swap3A = arith.constant 0 : index
    %swap3A_2 = arith.constant 0 : index
    %swap3A_3 = arith.constant 0 : index
    %swap3A_4 = arith.constant 0 : index
    %swap3A_5 = vector.load %arg3[%swap3A, %swap3A_2, %swap3A_3, %swap3A_4] : memref<1x64x16x256xf32, #tpu.memory_space<vmem>>, vector<1x64x16x256xf32>
    tpu.vector_store %arg3[%swap3A, %swap3A_2, %swap3A_3, %swap3A_4], %reshape3A {strides = array<i32>} : memref<1x64x16x256xf32, #tpu.memory_space<vmem>>, vector<1x64x16x256xf32>,
    return
  }
  func.func @transform_0(%arg0: i32, %arg1: i32) -> (i32, i32) {
    %mul3A = arith.constant 16 : i32
    %mul3A_0 = arith.muli %arg0, %mul3A : i32
    %add3A = arith.addi %mul3A_0, %arg1 : i32
    %c0_i32 = arith.constant 0 : i32
    %c0_i32_1 = arith.constant 0 : i32
    return %add3A, %c0_i32 : i32, i32
  }
  func.func @transform_1(%arg0: i32, %arg1: i32) -> (i32, i32, i32, i32) {
    %c0_i32 = arith.constant 0 : i32
    %c0_i32_0 = arith.constant 0 : i32
    %c0_i32_1 = arith.constant 0 : i32
    return %arg0, %c0_i32, %arg1, %c0_i32_0 : i32, i32, i32, i32
  }
}

</mosaic_0001>

<sc_bundles>
// kernel: kernel.6.cloned.1.call-start
scs
__scs_entry_jumppad:
0x0: {  	(pc) =	sbr.rel $0x88, $3  }
0x1: {  	(tag) =	ssettag $0x0;
	lr =	simm.s32 $0x1  }
0x2: {  	[smem:$0x3F9A] =	sst lr;
	_ =	strace $0xD0000000  }
0x3: {  	_ = 	snop  }
0x4: {  	_ = 	snop  }
0x5: {  	_ = 	snop  }
0x6: {  	_ = 	snop  }
0x7: {  	_ = 	snop  }
__scs_overlays_trampoline_lowered:
0x8: {  	[smem:$0x3FA9] =	sst s0  }
0x9: {  	[smem:$0x3FAA] =	sst s1  }
0xa: {  	[smem:$0x3FAB] =	sst s2  }
0xb: {  	[smem:$0x3FAC] =	sst s3  }
0xc: {  	[smem:$0x3FAD] =	sst s4  }
0xd: {  	[smem:$0x3FAE] =	sst s5  }
0xe: {  	[smem:$0x3FAF] =	sst s6  }
0xf: {  	[smem:$0x3FB0] =	sst s7  }
0x10: {  	[smem:$0x3FB1] =	sst s8  }
0x11: {  	[smem:$0x3FB2] =	sst s9;
	s0 =	simm.s32 @!p0 $0x0  }
0x12: {  	s1 =	sld [smem:$0x3F98];
	s0 =	simm.s32 @p0 $0x1  }
0x13: {  	[smem:$0x3FB3] =	sst s0;
	s0 =	simm.s32 @!p1 $0x0  }
0x14: {  	s2 =	sld [smem:$0x3F97];
	s0 =	simm.s32 @p1 $0x1  }
0x15: {  	[smem:$0x3FB4] =	sst s0;
	s0 =	simm.s32 @!p2 $0x0  }
0x16: {  	s3 =	sld [smem:$0x3FDB];
	s0 =	simm.s32 @p2 $0x1  }
0x17: {  	s4 =	simm.s32 $0x1BF5;
	[smem:$0x3FB6] =	sst s0  }
0x18: {  	s0 =	sld [smem:$0x3F99];
	_ =	swait.ge [sflag:s4], $0x0  }
0x19: {  	s7 =	sld [smem:$0x3F9A]  }
0x1a: {  	s8 =	sadd.s32 $0xFFFFE003, lr  }
0x1b: {  	s9 =	sadd.s32 $0xFFFFFEF7, lr;
	s5 =	simm.s32 $0xFFFFFFFF;
	p2 =	slt.u32 s8, $0xFFFFF086  }
0x1c: {  	p1 =	slt.u32 s9, $0xF7A;
	s5 =	simm.s32 @!p2 $0x0  }
0x1d: {  	s5 =	simm.s32 @p1 $0x1;
	p0 =	seq.s32 s7, s2  }
0x1e: {  	s7 =	smul.u32 @!p0 $0xF7A, s2;
	p2 =	seq.s32 @!p0 s5, $0x0  }
0x1f: {  	s9 =	smul.u32 $0xF7A, s1;
	s8 =	simm.s32 @!p0 $0x1BF5;
	p2 =	por !p2, p0  }
0x20: {  	[sflag:s8] =	ssyncset.s32 @!p0 $0xFFFFF086;
	s6 =	sadd.s32 @!p0 s3, s7;
	s7 =	simm.s32 @!p0 $0x108  }
0x21: {  	s3 =	sadd.s32 s3, s9;
	s6 =	sadd.s32 @!p0 $0x88, s6;
	s7 =	simm.s32 @p2 $0x1082  }
0x22: {  	[simem:s7], [sflag:s8] =	dma.local @!p0 [hbm:s6], $0xF7A  }
0x23: {  	s9 =	sor.u32 $0xD0000000, s2;
	s6 =	simm.s32 $0x108;
	_ =	swait.ge @!p0 [sflag:s8], $0x0  }
0x24: {  	s3 =	sadd.s32 $0x88, s3;
	s6 =	simm.s32 @!p1 $0x1082;
	[sflag:s4] =	ssyncset.s32 $0xFFFFF086  }
0x25: {  	[simem:s6], [sflag:s4] =	dma.local [hbm:s3], $0xF7A  }
0x26: {  	[smem:$0x3F9A] =	sst s1;
	(tag) =	ssettag s2;
	_ =	strace s9  }
0x27: {  	s1 =	sld [smem:$0x3FAA]  }
0x28: {  	s2 =	sld [smem:$0x3FAB]  }
0x29: {  	s4 =	sld [smem:$0x3FAD]  }
0x2a: {  	p0 =	seq.s32 s5, $0x0;
	s5 =	sld [smem:$0x3FAE]  }
0x2b: {  	s6 =	sld [smem:$0x3FAF]  }
0x2c: {  	s7 =	sld [smem:$0x3FB0]  }
0x2d: {  	s3 =	simm.s32 $0x108;
	s8 =	sld [smem:$0x3FB1]  }
0x2e: {  	s3 =	simm.s32 @!p0 $0x1082;
	s9 =	sld [smem:$0x3FB2]  }
0x2f: {  	lr =	sadd.s32 s0, s3;
	s0 =	sld [smem:$0x3FA9]  }
0x30: {  	s3 =	sld [smem:$0x3FAC]  }
0x31: {  	[smem:$0x3FB5] =	sst s10  }
0x32: {  	s10 =	sld [smem:$0x3FB3];
	_ =	sdelay $0x3  }
0x33: {  	p0 =	seq.s32 s10, $0x1;
	s10 =	sld [smem:$0x3FB5];
	_ =	sdelay $0x3  }
0x34: {  	[smem:$0x3FB5] =	sst s10  }
0x35: {  	s10 =	sld [smem:$0x3FB4];
	_ =	sdelay $0x3  }
0x36: {  	p1 =	seq.s32 s10, $0x1;
	s10 =	sld [smem:$0x3FB5];
	_ =	sdelay $0x3  }
0x37: {  	[smem:$0x3FB5] =	sst s10  }
0x38: {  	s10 =	sld [smem:$0x3FB6]  }
0x39: {  	_ = 	snop;
	(pc) =	sbr.ind lr, $3  }
0x3a: {  	_ = 	snop  }
0x3b: {  	_ = 	snop  }
0x3c: {  	p2 =	seq.s32 s10, $0x1;
	s10 =	sld [smem:$0x3FB5]  }
0x3d: {  	_ =	shalt  }
0x3e: {  	_ =	shalt  }
0x3f: {  	_ =	shalt  }
0x40: {  	_ =	shalt  }
0x41: {  	_ =	shalt  }
0x42: {  	_ =	shalt  }
0x43: {  	_ =	shalt  }
0x44: {  	_ =	shalt  }
0x45: {  	_ =	shalt  }
0x46: {  	_ =	shalt  }
0x47: {  	_ =	shalt  }
0x48: {  	_ =	shalt  }
0x49: {  	_ =	shalt  }
0x4a: {  	_ =	shalt  }
0x4b: {  	_ =	shalt  }
0x4c: {  	_ =	shalt  }
0x4d: {  	_ =	shalt  }
0x4e: {  	_ =	shalt  }
0x4f: {  	_ =	shalt  }
0x50: {  	_ =	shalt  }
0x51: {  	_ =	shalt  }
0x52: {  	_ =	shalt  }
0x53: {  	_ =	shalt  }
0x54: {  	_ =	shalt  }
0x55: {  	_ =	shalt  }
0x56: {  	_ =	shalt  }
0x57: {  	_ =	shalt  }
0x58: {  	_ =	shalt  }
0x59: {  	_ =	shalt  }
0x5a: {  	_ =	shalt  }
0x5b: {  	_ =	shalt  }
0x5c: {  	_ =	shalt  }
0x5d: {  	_ =	shalt  }
0x5e: {  	_ =	shalt  }
0x5f: {  	_ =	shalt  }
0x60: {  	_ =	shalt  }
0x61: {  	_ =	shalt  }
0x62: {  	_ =	shalt  }
0x63: {  	_ =	shalt  }
0x64: {  	_ =	shalt  }
0x65: {  	_ =	shalt  }
0x66: {  	_ =	shalt  }
0x67: {  	_ =	shalt  }
0x68: {  	_ =	shalt  }
0x69: {  	_ =	shalt  }
0x6a: {  	_ =	shalt  }
0x6b: {  	_ =	shalt  }
0x6c: {  	_ =	shalt  }
0x6d: {  	_ =	shalt  }
0x6e: {  	_ =	shalt  }
0x6f: {  	_ =	shalt  }
0x70: {  	_ =	shalt  }
0x71: {  	_ =	shalt  }
0x72: {  	_ =	shalt  }
0x73: {  	_ =	shalt  }
0x74: {  	_ =	shalt  }
0x75: {  	_ =	shalt  }
0x76: {  	_ =	shalt  }
0x77: {  	_ =	shalt  }
0x78: {  	_ =	shalt  }
0x79: {  	_ =	shalt  }
0x7a: {  	_ =	shalt  }
0x7b: {  	_ =	shalt  }
0x7c: {  	_ =	shalt  }
0x7d: {  	_ =	shalt  }
0x7e: {  	_ =	shalt  }
0x7f: {  	_ =	shalt  }
0x80: {  	_ =	shalt  }
0x81: {  	_ =	shalt  }
0x82: {  	_ =	shalt  }
0x83: {  	_ =	shalt  }
0x84: {  	_ =	shalt  }
0x85: {  	_ =	shalt  }
0x86: {  	_ =	shalt  }
0x87: {  	_ =	shalt  }
.Lfunc_end0:
.L_simem_size_0:
called_computation_lowered:
.L_overlay_start_0:
0x88: {  	s2 =	sld [smem:$0x3FD9]  }
0x89: {  	s3 =	sld [smem:$0x3FFE];
	_ =	sdelay $0x1  }
0x8a: {  	s1 =	srdreg.scid  }
0x8b: {  	s0 =	sand.u32 $0x1, s1  }
0x8c: {  	s17 =	sshll.u32 s0, $0xA;
	s2 =	sadd.s32 s3, s2  }
0x8d: {  	s2 =	sadd.s32 s2, s17  }
0x8e: {  	[smem:$0x3FC1] =	sst s2  }
0x8f: {  	_ = 	snop  }
0x90: {  	s2 =	sld [smem:$0x3FD0];
	(tm) =	ssettm $0x1  }
0x91: {  	s18 =	sld [smem:$0x3FFB];
	_ =	sdelay $0x3  }
0x92: {  	_ =	strace s18  }
0x93: {  	s3 =	sld [smem:$0x3FFC];
	_ =	sdelay $0x3  }
0x94: {  	_ =	strace s3  }
0x95: {  	s3 =	sld [smem:$0x3FFD];
	_ =	sdelay $0x3  }
0x96: {  	_ =	strace s3  }
0x97: {  	_ =	strace $0x8FFFFFFF  }
0x98: {  	s19 =	sld [smem:$0x3FDB];
	_ =	sdelay $0x1  }
0x99: {  	s4 =	simm.s32 $_scs_section_size  }
0x9a: {  	s5 =	simm.s32 $_size__tile_overlayer_lowered;
	s6 =	simm.s32 $_tile_overlayer_lowered  }
0x9b: {  	s22 =	simm.s32 $0x1BFF;
	s21 =	sshll.u32 s6, $0x1;
	s3 =	sadd.s32 s4, s19  }
0x9c: {  	s7 =	simm.s32 $0x0;
	s20 =	sshll.u32 s5, $0x1;
	s5 =	sadd.s32 s21, s3  }
0x9d: {  	[timem:s7], [sflag:s22] =	dma.local [hbm:s5], s20  }
0x9e: {  	_ =	swait.ge [sflag:s22], s20  }
0x9f: {  	s4 =	ssub.s32 $0x0, s20;
	[sflag:s22] =	ssyncset.done $0x0  }
0xa0: {  	[sflag:s22] =	ssyncadd.s32 s4;
	_ =	sdelay $0x1  }
0xa1: {  	s23 =	simm.s32 $0x1B8B  }
0xa2: {  	_ =	swait.ge [sflag:s23], $0x1  }
0xa3: {  	[sflag:s23] =	ssyncset.done $0x0  }
0xa4: {  	s25 =	simm.s32 $0x1B8E;
	s24 =	sld [smem:$0x3FFE];
	[sflag:s23] =	ssyncadd.s32 $0xFFFFFFFF  }
0xa5: {  	s26 =	simm.s32 $execute0_lowered;
	[smem:$0x3FD2] =	sst s25  }
0xa6: {  	s5 =	sshll.u32 s26, $0x1;
	_ =	strace $0x80000046;
	[dreg:$0x1] =	wrdreg $0xFFFFFFFF  }
0xa7: {  	s28 =	simm.s32 $_size_execute0_lowered;
	s3 =	sadd.s32 s3, s5;
	[dreg:$0x0] =	wrdreg $0x0  }
0xa8: {  	s5 =	sshll.u32 s28, $0x1;
	[dreg:$0x2] =	wrdreg s3  }
0xa9: {  	[dreg:$0x3] =	wrdreg s5  }
0xaa: {  	[dreg:$0x4] =	wrdreg $0xC0  }
0xab: {  	_ =	task [dreg:s7], $0x5FFFF  }
0xac: {  	[dreg:$0x1] =	wrdreg $0xFFFFFFFF  }
0xad: {  	[dreg:$0x0] =	wrdreg $0x60  }
0xae: {  	[dreg:$0x2] =	wrdreg s2  }
0xaf: {  	[dreg:$0x3] =	wrdreg s24  }
0xb0: {  	[dreg:$0x4] =	wrdreg $0xA0000  }
0xb1: {  	[dreg:$0x5] =	wrdreg $0x9  }
0xb2: {  	_ =	task.clear_ibuf [dreg:s7], $0x6FFFF;
	_ =	strace $0x90000046  }
0xb3: {  	s29 =	simm.s32 $0x9;
	_ =	strace $0x80000048  }
0xb4: {  	_ =	swait.ge [sflag:s29], $0x1  }
0xb5: {  	[sflag:s29] =	ssyncadd.s32 $0xFFFFFFFF  }
0xb6: {  	_ =	strace $0x90000048  }
0xb7: {  	_ =	sfence  }
0xb8: {  	s30 =	sld [smem:$0x0];
	_ =	sdelay $0x2  }
0xb9: {  	s31 =	sshll.u32 s1, $0xD;
	s1 =	sshrl.u32 s1, $0x2  }
0xba: {  	s3 =	sand.u32 $0x4000, s31;
	s1 =	sadd.s32 s1, s30  }
0xbb: {  	s0 =	sor.u32 s3, s0;
	s1 =	sshll.u32 s1, $0x11  }
0xbc: {  	s0 =	sor.u32 s1, s0  }
0xbd: {  	s0 =	sadd.s32 $0x8F2B, s0  }
0xbe: {  	[sflag:s0] =	ssyncadd.remote.s32 $0x1  }
0xbf: {  	_ =	sfence.sel $0xFFFF  }
0xc0: {  	[dreg:$0x0] =	wrdreg $0xFFFFFFFF;
	(pc) =	sbr.abs _section_cstart, $3  }
0xc1: {  	[dreg:$0x1] =	wrdreg $0xFFFFFFFF  }
0xc2: {  	_ =	task.clear_ibuf [dreg:s7], $0x2FFFF;
	_ =	strace $0x9FFFFFFF  }
0xc3: {  	(tm) =	ssettm $0x7FFFFFFF  }
tec
execute0_lowered:
.L_overlay_start_1:
0x0: {  	(tag) =	ssettag $0x1  }
0x1: {  	s0 =	rddreg [dreg:$0x0]  }
0x2: {  	s1 =	rddreg [dreg:$0x1]  }
0x3: {  	s2 =	rddreg [dreg:$0x2];
	s3 =	simm.s32 $0x0;
	s9 =	stileid.u32  }
0x4: {  	s4 =	srdreg.scid;
	s28 =	simm.s32 $0x5C00;
	s29 =	simm.s32 $0x1  }
0x5: {  	s30 =	simm.s32 $0x200;
	s31 =	simm.s32 $0x9C00;
	s16 =	smul.u32 $0x380, s9  }
0x6: {  	[smem:$0x7FF] =	sst s3;
	s5 =	sadd.s32 $0x1200, s1;
	s7 =	smul.u32 $0x7000, s9  }
0x7: {  	s4 =	sand.u32 $0x1, s4;
	s17 =	sshll.u32 s9, $0xD;
	s8 =	smul.u32 $0x70000, s9  }
0x8: {  	s20 =	sshll.u32 s9, $0x10;
	s26 =	sshll.u32 s9, $0x6;
	_ =	strace $0x80000047  }
0x9: {  	[dreg:$0x4] =	wrdreg s5;
	s6 =	ssub.s32 $0x2, s4;
	s19 =	sshll.u32 s4, $0x11  }
0xa: {  	s3 =	sadd.s32 s16, s1;
	s1 =	sadd.s32 s17, s1;
	s18 =	sshrl.u32 s6, $0x1  }
0xb: {  	[dreg:$0x6] =	wrdreg s19;
	s21 =	sadd.s32 s0, s7;
	s22 =	sshrl.u32 s8, $0x4  }
0xc: {  	s5 =	ssub.s32 s6, s18;
	s3 =	sadd.s32 $0xE3200, s3;
	s10 =	smov.u32 s21  }
0xd: {  	s23 =	sadd.s32 $0x800, s21;
	s0 =	sadd.s32 s0, s22;
	s22 =	sadd.s32 $0xE6A00, s1  }
0xe: {  	s1 =	simm.s32 $0x2;
	s6 =	simm.s32 $0x0;
	[dreg:$0x5] =	wrdreg s3  }
0xf: {  	s3 =	sadd.s32 s20, s2;
	[dreg:$0x8] =	wrdreg s23;
	s24 =	sadd.s32 $0x1000, s0  }
0x10: {  	s11 =	sadd.s32 $0x1800, s0;
	s12 =	sadd.s32 $0x2000, s0;
	s13 =	sadd.s32 $0x2800, s0  }
0x11: {  	s14 =	sadd.s32 $0x3000, s0;
	s15 =	sadd.s32 $0x3800, s0;
	s16 =	sadd.s32 $0x4000, s0  }
0x12: {  	s17 =	sadd.s32 $0x4800, s0;
	s18 =	sadd.s32 $0x5000, s0;
	s19 =	sadd.s32 $0x5800, s0  }
0x13: {  	s20 =	sadd.s32 $0x6000, s0;
	s21 =	sadd.s32 $0x6800, s0;
	[dreg:$0x7] =	wrdreg s3  }
0x14: {  	s25 =	smax.u32 s5, $0x1;
	s0 =	simm.s32 $0x3;
	[dreg:$0x9] =	wrdreg s24  }
0x15: {  	s5 =	simm.s32 $0x4;
	[dreg:$0xa] =	wrdreg s25;
	s24 =	simm.s32 $0x5  }
0x16: {  	s25 =	sor.u32 $0x1C05, s26;
	s26 =	simm.s32 $0x1C00;
	s3 =	simm.s32 $0x9E00  }
.LBB2_1:
0x17: {  	[dreg:$0xb] =	wrdreg s6  }
0x18: {  	s4 =	simm.s32 $0x0;
	s23 =	rddreg [dreg:$0x5]  }
0x19: {  	[tilespmem:s4], [sflag:$0x5] =	stream.linear.gather [hbm4b:s23+s4], $0x1C00, $0x38;
	[tilespmem:$0x1A010] =	vst v63  }
0x1a: {  	_ =	swait.ge [sflag:s24], $0x1C00  }
0x1b: {  	[sflag:s24] =	ssyncset.done $0x0  }
0x1c: {  	s23 =	simm.s32 $0x0;
	[sflag:s24] =	ssyncadd.s32 $0xFFFFE400  }
.LBB2_2:
0x1d: {  	s4 =	rddreg [dreg:$0x7]  }
0x1e: {  	s6 =	rddreg [dreg:$0x4];
	s4 =	sshrl.u32 s4, $0x3  }
0x1f: {  	[spmem:s4], [sflag:s25] =	dma.local [hbm:s6], $0x2000  }
0x20: {  	_ =	swait.ge [sflag:s24], $0x2000  }
0x21: {  	[sflag:s24] =	ssyncset.done $0x0  }
0x22: {  	[sflag:s24] =	ssyncadd.s32 $0xFFFFE000  }
0x23: {  	s9 =	simm.s32 $0x0;
	[bflag:$0x0] =	sbarrier.arrive $0xFFFF  }
0x24: {  	[tilespmem:s26], [sflag:$0x1] =	stream.linear.gather [hbm4b:s10+s9], $0x4000, $0x38;
	[tilespmem:$0x1A010] =	vst v63  }
0x25: {  	s7 =	rddreg [dreg:$0x8]  }
0x26: {  	[tilespmem:s28], [sflag:$0x2] =	stream.linear.gather [hbm4b:s7+s9], $0x4000, $0x38;
	[tilespmem:$0x1A010] =	vst v63  }
0x27: {  	_ =	swait.ge [sflag:s29], $0x4000  }
0x28: {  	s8 =	sshll.u32 s23, $0xF;
	[sflag:s29] =	ssyncset.done $0x0  }
0x29: {  	s7 =	simm.s32 $0x0;
	s9 =	rddreg [dreg:$0x6];
	[sflag:s29] =	ssyncadd.s32 $0xFFFFC000  }
0x2a: {  	s6 =	sadd.s32 s9, s8;
	v1 =	vld [tilespmem:s7+$0x0]  }
0x2b: {  	s8 =	simm.s32 $0x40;
	v0 =	vmov s6  }
.LBB2_3:
0x2c: {  	p0 =	sne.s32 s8, $0x7C0  }
.Ltmp0:
0x2d: {  	_ = 	snop;
	(pc) =	sbr.rel @p0 .LBB2_3-.Ltmp0, $4  }
0x2e: {  	_ = 	snop  }
0x2f: {  	s9 =	sshra.s32 s8, $0x2;
	s8 =	sadd.s32 $0x40, s8;
	v2 =	vsub.s32 v1, v0  }
0x30: {  	v1 =	vld [tilespmem:s9+$0x0];
	v2 =	vmin.u32 v2, $0x8000  }
0x31: {  	[tilespmem:s7+$0x9C00] =	vst v2;
	s7 =	smov.u32 s9  }
0x32: {  	_ =	sdelay $0x2  }
0x33: {  	v1 =	vsub.s32 v1, v0  }
0x34: {  	v1 =	vmin.u32 v1, $0x8000  }
0x35: {  	[tilespmem:s7+$0x9C00] =	vst v1  }
0x36: {  	[spmem:s2] =	stream.indirect.scatter.add.bf16 [tilespmem:s26], [sflag:$0x3], $0x20, s31, s30, $0xb8;
	[tilespmem:$0x1A010] =	vst v63  }
0x37: {  	_ =	swait.ge [sflag:s0], $0x4000  }
0x38: {  	[sflag:s0] =	ssyncset.done $0x0  }
0x39: {  	s9 =	simm.s32 $0x0;
	s8 =	rddreg [dreg:$0x9];
	[sflag:s0] =	ssyncadd.s32 $0xFFFFC000  }
0x3a: {  	[tilespmem:s26], [sflag:$0x1] =	stream.linear.gather [hbm4b:s8+s9], $0x4000, $0x38;
	[tilespmem:$0x1A010] =	vst v63  }
0x3b: {  	_ =	swait.ge [sflag:s1], $0x4000  }
0x3c: {  	[sflag:s1] =	ssyncset.done $0x0  }
0x3d: {  	s7 =	simm.s32 $0x0;
	[sflag:s1] =	ssyncadd.s32 $0xFFFFC000  }
0x3e: {  	v1 =	vld [tilespmem:s7+$0x200]  }
0x3f: {  	s8 =	simm.s32 $0x40  }
.LBB2_5:
0x40: {  	p0 =	sne.s32 s8, $0x7C0  }
.Ltmp1:
0x41: {  	_ = 	snop;
	(pc) =	sbr.rel @p0 .LBB2_5-.Ltmp1, $4  }
0x42: {  	_ = 	snop  }
0x43: {  	s9 =	sshra.s32 s8, $0x2;
	s8 =	sadd.s32 $0x40, s8;
	v2 =	vsub.s32 v1, v0  }
0x44: {  	v1 =	vld [tilespmem:s9+$0x200];
	v2 =	vmin.u32 v2, $0x8000  }
0x45: {  	[tilespmem:s7+$0x9E00] =	vst v2;
	s7 =	smov.u32 s9  }
0x46: {  	_ =	sdelay $0x2  }
0x47: {  	v1 =	vsub.s32 v1, v0  }
0x48: {  	v1 =	vmin.u32 v1, $0x8000  }
0x49: {  	[tilespmem:s7+$0x9E00] =	vst v1  }
0x4a: {  	[spmem:s2] =	stream.indirect.scatter.add.bf16 [tilespmem:s28], [sflag:$0x4], $0x20, s3, s30, $0xb8;
	[tilespmem:$0x1A010] =	vst v63  }
0x4b: {  	_ =	swait.ge [sflag:s5], $0x4000  }
0x4c: {  	[sflag:s5] =	ssyncset.done $0x0  }
0x4d: {  	s9 =	simm.s32 $0x0;
	[sflag:s5] =	ssyncadd.s32 $0xFFFFC000  }
0x4e: {  	[tilespmem:s28], [sflag:$0x2] =	stream.linear.gather [hbm4b:s11+s9], $0x4000, $0x38;
	[tilespmem:$0x1A010] =	vst v63  }
0x4f: {  	_ =	swait.ge [sflag:s29], $0x4000  }
0x50: {  	[sflag:s29] =	ssyncset.done $0x0  }
0x51: {  	s7 =	simm.s32 $0x0;
	[sflag:s29] =	ssyncadd.s32 $0xFFFFC000  }
0x52: {  	v1 =	vld [tilespmem:s7+$0x400]  }
0x53: {  	s8 =	simm.s32 $0x40  }
.LBB2_7:
0x54: {  	p0 =	sne.s32 s8, $0x7C0  }
.Ltmp2:
0x55: {  	_ = 	snop;
	(pc) =	sbr.rel @p0 .LBB2_7-.Ltmp2, $4  }
0x56: {  	_ = 	snop  }
0x57: {  	s9 =	sshra.s32 s8, $0x2;
	s8 =	sadd.s32 $0x40, s8;
	v2 =	vsub.s32 v1, v0  }
0x58: {  	v1 =	vld [tilespmem:s9+$0x400];
	v2 =	vmin.u32 v2, $0x8000  }
0x59: {  	[tilespmem:s7+$0x9C00] =	vst v2;
	s7 =	smov.u32 s9  }
0x5a: {  	_ =	sdelay $0x2  }
0x5b: {  	v1 =	vsub.s32 v1, v0  }
0x5c: {  	v1 =	vmin.u32 v1, $0x8000  }
0x5d: {  	[tilespmem:s7+$0x9C00] =	vst v1  }
0x5e: {  	[spmem:s2] =	stream.indirect.scatter.add.bf16 [tilespmem:s26], [sflag:$0x3], $0x20, s31, s30, $0xb8;
	[tilespmem:$0x1A010] =	vst v63  }
0x5f: {  	_ =	swait.ge [sflag:s0], $0x4000  }
0x60: {  	[sflag:s0] =	ssyncset.done $0x0  }
0x61: {  	s9 =	simm.s32 $0x0;
	[sflag:s0] =	ssyncadd.s32 $0xFFFFC000  }
0x62: {  	[tilespmem:s26], [sflag:$0x1] =	stream.linear.gather [hbm4b:s12+s9], $0x4000, $0x38;
	[tilespmem:$0x1A010] =	vst v63  }
0x63: {  	_ =	swait.ge [sflag:s1], $0x4000  }
0x64: {  	[sflag:s1] =	ssyncset.done $0x0  }
0x65: {  	s7 =	simm.s32 $0x0;
	[sflag:s1] =	ssyncadd.s32 $0xFFFFC000  }
0x66: {  	v1 =	vld [tilespmem:s7+$0x600]  }
0x67: {  	s8 =	simm.s32 $0x40  }
.LBB2_9:
0x68: {  	p0 =	sne.s32 s8, $0x7C0  }
.Ltmp3:
0x69: {  	_ = 	snop;
	(pc) =	sbr.rel @p0 .LBB2_9-.Ltmp3, $4  }
0x6a: {  	_ = 	snop  }
0x6b: {  	s9 =	sshra.s32 s8, $0x2;
	s8 =	sadd.s32 $0x40, s8;
	v2 =	vsub.s32 v1, v0  }
0x6c: {  	v1 =	vld [tilespmem:s9+$0x600];
	v2 =	vmin.u32 v2, $0x8000  }
0x6d: {  	[tilespmem:s7+$0x9E00] =	vst v2;
	s7 =	smov.u32 s9  }
0x6e: {  	_ =	sdelay $0x2  }
0x6f: {  	v1 =	vsub.s32 v1, v0  }
0x70: {  	v1 =	vmin.u32 v1, $0x8000  }
0x71: {  	[tilespmem:s7+$0x9E00] =	vst v1  }
0x72: {  	[spmem:s2] =	stream.indirect.scatter.add.bf16 [tilespmem:s28], [sflag:$0x4], $0x20, s3, s30, $0xb8;
	[tilespmem:$0x1A010] =	vst v63  }
0x73: {  	_ =	swait.ge [sflag:s5], $0x4000  }
0x74: {  	[sflag:s5] =	ssyncset.done $0x0  }
0x75: {  	s9 =	simm.s32 $0x0;
	[sflag:s5] =	ssyncadd.s32 $0xFFFFC000  }
0x76: {  	[tilespmem:s28], [sflag:$0x2] =	stream.linear.gather [hbm4b:s13+s9], $0x4000, $0x38;
	[tilespmem:$0x1A010] =	vst v63  }
0x77: {  	_ =	swait.ge [sflag:s29], $0x4000  }
0x78: {  	[sflag:s29] =	ssyncset.done $0x0  }
0x79: {  	s7 =	simm.s32 $0x0;
	[sflag:s29] =	ssyncadd.s32 $0xFFFFC000  }
0x7a: {  	v1 =	vld [tilespmem:s7+$0x800]  }
0x7b: {  	s8 =	simm.s32 $0x40  }
.LBB2_11:
0x7c: {  	p0 =	sne.s32 s8, $0x7C0  }
.Ltmp4:
0x7d: {  	_ = 	snop;
	(pc) =	sbr.rel @p0 .LBB2_11-.Ltmp4, $4  }
0x7e: {  	_ = 	snop  }
0x7f: {  	s9 =	sshra.s32 s8, $0x2;
	s8 =	sadd.s32 $0x40, s8;
	v2 =	vsub.s32 v1, v0  }
0x80: {  	v1 =	vld [tilespmem:s9+$0x800];
	v2 =	vmin.u32 v2, $0x8000  }
0x81: {  	[tilespmem:s7+$0x9C00] =	vst v2;
	s7 =	smov.u32 s9  }
0x82: {  	_ =	sdelay $0x2  }
0x83: {  	v1 =	vsub.s32 v1, v0  }
0x84: {  	v1 =	vmin.u32 v1, $0x8000  }
0x85: {  	[tilespmem:s7+$0x9C00] =	vst v1  }
0x86: {  	[spmem:s2] =	stream.indirect.scatter.add.bf16 [tilespmem:s26], [sflag:$0x3], $0x20, s31, s30, $0xb8;
	[tilespmem:$0x1A010] =	vst v63  }
0x87: {  	_ =	swait.ge [sflag:s0], $0x4000  }
0x88: {  	[sflag:s0] =	ssyncset.done $0x0  }
0x89: {  	s9 =	simm.s32 $0x0;
	[sflag:s0] =	ssyncadd.s32 $0xFFFFC000  }
0x8a: {  	[tilespmem:s26], [sflag:$0x1] =	stream.linear.gather [hbm4b:s14+s9], $0x4000, $0x38;
	[tilespmem:$0x1A010] =	vst v63  }
0x8b: {  	_ =	swait.ge [sflag:s1], $0x4000  }
0x8c: {  	[sflag:s1] =	ssyncset.done $0x0  }
0x8d: {  	s7 =	simm.s32 $0x0;
	[sflag:s1] =	ssyncadd.s32 $0xFFFFC000  }
0x8e: {  	v1 =	vld [tilespmem:s7+$0xA00]  }
0x8f: {  	s8 =	simm.s32 $0x40  }
.LBB2_13:
0x90: {  	p0 =	sne.s32 s8, $0x7C0  }
.Ltmp5:
0x91: {  	_ = 	snop;
	(pc) =	sbr.rel @p0 .LBB2_13-.Ltmp5, $4  }
0x92: {  	_ = 	snop  }
0x93: {  	s9 =	sshra.s32 s8, $0x2;
	s8 =	sadd.s32 $0x40, s8;
	v2 =	vsub.s32 v1, v0  }
0x94: {  	v1 =	vld [tilespmem:s9+$0xA00];
	v2 =	vmin.u32 v2, $0x8000  }
0x95: {  	[tilespmem:s7+$0x9E00] =	vst v2;
	s7 =	smov.u32 s9  }
0x96: {  	_ =	sdelay $0x2  }
0x97: {  	v1 =	vsub.s32 v1, v0  }
0x98: {  	v1 =	vmin.u32 v1, $0x8000  }
0x99: {  	[tilespmem:s7+$0x9E00] =	vst v1  }
0x9a: {  	[spmem:s2] =	stream.indirect.scatter.add.bf16 [tilespmem:s28], [sflag:$0x4], $0x20, s3, s30, $0xb8;
	[tilespmem:$0x1A010] =	vst v63  }
0x9b: {  	_ =	swait.ge [sflag:s5], $0x4000  }
0x9c: {  	[sflag:s5] =	ssyncset.done $0x0  }
0x9d: {  	s9 =	simm.s32 $0x0;
	[sflag:s5] =	ssyncadd.s32 $0xFFFFC000  }
0x9e: {  	[tilespmem:s28], [sflag:$0x2] =	stream.linear.gather [hbm4b:s15+s9], $0x4000, $0x38;
	[tilespmem:$0x1A010] =	vst v63  }
0x9f: {  	_ =	swait.ge [sflag:s29], $0x4000  }
0xa0: {  	[sflag:s29] =	ssyncset.done $0x0  }
0xa1: {  	s7 =	simm.s32 $0x0;
	[sflag:s29] =	ssyncadd.s32 $0xFFFFC000  }
0xa2: {  	v1 =	vld [tilespmem:s7+$0xC00]  }
0xa3: {  	s8 =	simm.s32 $0x40  }
.LBB2_15:
0xa4: {  	p0 =	sne.s32 s8, $0x7C0  }
.Ltmp6:
0xa5: {  	_ = 	snop;
	(pc) =	sbr.rel @p0 .LBB2_15-.Ltmp6, $4  }
0xa6: {  	_ = 	snop  }
0xa7: {  	s9 =	sshra.s32 s8, $0x2;
	s8 =	sadd.s32 $0x40, s8;
	v2 =	vsub.s32 v1, v0  }
0xa8: {  	v1 =	vld [tilespmem:s9+$0xC00];
	v2 =	vmin.u32 v2, $0x8000  }
0xa9: {  	[tilespmem:s7+$0x9C00] =	vst v2;
	s7 =	smov.u32 s9  }
0xaa: {  	_ =	sdelay $0x2  }
0xab: {  	v1 =	vsub.s32 v1, v0  }
0xac: {  	v1 =	vmin.u32 v1, $0x8000  }
0xad: {  	[tilespmem:s7+$0x9C00] =	vst v1  }
0xae: {  	[spmem:s2] =	stream.indirect.scatter.add.bf16 [tilespmem:s26], [sflag:$0x3], $0x20, s31, s30, $0xb8;
	[tilespmem:$0x1A010] =	vst v63  }
0xaf: {  	_ =	swait.ge [sflag:s0], $0x4000  }
0xb0: {  	[sflag:s0] =	ssyncset.done $0x0  }
0xb1: {  	s9 =	simm.s32 $0x0;
	[sflag:s0] =	ssyncadd.s32 $0xFFFFC000  }
0xb2: {  	[tilespmem:s26], [sflag:$0x1] =	stream.linear.gather [hbm4b:s16+s9], $0x4000, $0x38;
	[tilespmem:$0x1A010] =	vst v63  }
0xb3: {  	_ =	swait.ge [sflag:s1], $0x4000  }
0xb4: {  	[sflag:s1] =	ssyncset.done $0x0  }
0xb5: {  	s7 =	simm.s32 $0x0;
	[sflag:s1] =	ssyncadd.s32 $0xFFFFC000  }
0xb6: {  	v1 =	vld [tilespmem:s7+$0xE00]  }
0xb7: {  	s8 =	simm.s32 $0x40  }
.LBB2_17:
0xb8: {  	p0 =	sne.s32 s8, $0x7C0  }
.Ltmp7:
0xb9: {  	_ = 	snop;
	(pc) =	sbr.rel @p0 .LBB2_17-.Ltmp7, $4  }
0xba: {  	_ = 	snop  }
0xbb: {  	s9 =	sshra.s32 s8, $0x2;
	s8 =	sadd.s32 $0x40, s8;
	v2 =	vsub.s32 v1, v0  }
0xbc: {  	v1 =	vld [tilespmem:s9+$0xE00];
	v2 =	vmin.u32 v2, $0x8000  }
0xbd: {  	[tilespmem:s7+$0x9E00] =	vst v2;
	s7 =	smov.u32 s9  }
0xbe: {  	_ =	sdelay $0x2  }
0xbf: {  	v1 =	vsub.s32 v1, v0  }
0xc0: {  	v1 =	vmin.u32 v1, $0x8000  }
0xc1: {  	[tilespmem:s7+$0x9E00] =	vst v1  }
0xc2: {  	[spmem:s2] =	stream.indirect.scatter.add.bf16 [tilespmem:s28], [sflag:$0x4], $0x20, s3, s30, $0xb8;
	[tilespmem:$0x1A010] =	vst v63  }
0xc3: {  	_ =	swait.ge [sflag:s5], $0x4000  }
0xc4: {  	[sflag:s5] =	ssyncset.done $0x0  }
0xc5: {  	s9 =	simm.s32 $0x0;
	[sflag:s5] =	ssyncadd.s32 $0xFFFFC000  }
0xc6: {  	[tilespmem:s28], [sflag:$0x2] =	stream.linear.gather [hbm4b:s17+s9], $0x4000, $0x38;
	[tilespmem:$0x1A010] =	vst v63  }
0xc7: {  	_ =	swait.ge [sflag:s29], $0x4000  }
0xc8: {  	[sflag:s29] =	ssyncset.done $0x0  }
0xc9: {  	s7 =	simm.s32 $0x0;
	[sflag:s29] =	ssyncadd.s32 $0xFFFFC000  }
0xca: {  	v1 =	vld [tilespmem:s7+$0x1000]  }
0xcb: {  	s8 =	simm.s32 $0x40  }
.LBB2_19:
0xcc: {  	p0 =	sne.s32 s8, $0x7C0  }
.Ltmp8:
0xcd: {  	_ = 	snop;
	(pc) =	sbr.rel @p0 .LBB2_19-.Ltmp8, $4  }
0xce: {  	_ = 	snop  }
0xcf: {  	s9 =	sshra.s32 s8, $0x2;
	s8 =	sadd.s32 $0x40, s8;
	v2 =	vsub.s32 v1, v0  }
0xd0: {  	v1 =	vld [tilespmem:s9+$0x1000];
	v2 =	vmin.u32 v2, $0x8000  }
0xd1: {  	[tilespmem:s7+$0x9C00] =	vst v2;
	s7 =	smov.u32 s9  }
0xd2: {  	_ =	sdelay $0x2  }
0xd3: {  	v1 =	vsub.s32 v1, v0  }
0xd4: {  	v1 =	vmin.u32 v1, $0x8000  }
0xd5: {  	[tilespmem:s7+$0x9C00] =	vst v1  }
0xd6: {  	[spmem:s2] =	stream.indirect.scatter.add.bf16 [tilespmem:s26], [sflag:$0x3], $0x20, s31, s30, $0xb8;
	[tilespmem:$0x1A010] =	vst v63  }
0xd7: {  	_ =	swait.ge [sflag:s0], $0x4000  }
0xd8: {  	[sflag:s0] =	ssyncset.done $0x0  }
0xd9: {  	s9 =	simm.s32 $0x0;
	[sflag:s0] =	ssyncadd.s32 $0xFFFFC000  }
0xda: {  	[tilespmem:s26], [sflag:$0x1] =	stream.linear.gather [hbm4b:s18+s9], $0x4000, $0x38;
	[tilespmem:$0x1A010] =	vst v63  }
0xdb: {  	_ =	swait.ge [sflag:s1], $0x4000  }
0xdc: {  	[sflag:s1] =	ssyncset.done $0x0  }
0xdd: {  	s7 =	simm.s32 $0x0;
	[sflag:s1] =	ssyncadd.s32 $0xFFFFC000  }
0xde: {  	v1 =	vld [tilespmem:s7+$0x1200]  }
0xdf: {  	s8 =	simm.s32 $0x40  }
.LBB2_21:
0xe0: {  	p0 =	sne.s32 s8, $0x7C0  }
.Ltmp9:
0xe1: {  	_ = 	snop;
	(pc) =	sbr.rel @p0 .LBB2_21-.Ltmp9, $4  }
0xe2: {  	_ = 	snop  }
0xe3: {  	s9 =	sshra.s32 s8, $0x2;
	s8 =	sadd.s32 $0x40, s8;
	v2 =	vsub.s32 v1, v0  }
0xe4: {  	v1 =	vld [tilespmem:s9+$0x1200];
	v2 =	vmin.u32 v2, $0x8000  }
0xe5: {  	[tilespmem:s7+$0x9E00] =	vst v2;
	s7 =	smov.u32 s9  }
0xe6: {  	_ =	sdelay $0x2  }
0xe7: {  	v1 =	vsub.s32 v1, v0  }
0xe8: {  	v1 =	vmin.u32 v1, $0x8000  }
0xe9: {  	[tilespmem:s7+$0x9E00] =	vst v1  }
0xea: {  	[spmem:s2] =	stream.indirect.scatter.add.bf16 [tilespmem:s28], [sflag:$0x4], $0x20, s3, s30, $0xb8;
	[tilespmem:$0x1A010] =	vst v63  }
0xeb: {  	_ =	swait.ge [sflag:s5], $0x4000  }
0xec: {  	[sflag:s5] =	ssyncset.done $0x0  }
0xed: {  	s9 =	simm.s32 $0x0;
	[sflag:s5] =	ssyncadd.s32 $0xFFFFC000  }
0xee: {  	[tilespmem:s28], [sflag:$0x2] =	stream.linear.gather [hbm4b:s19+s9], $0x4000, $0x38;
	[tilespmem:$0x1A010] =	vst v63  }
0xef: {  	_ =	swait.ge [sflag:s29], $0x4000  }
0xf0: {  	[sflag:s29] =	ssyncset.done $0x0  }
0xf1: {  	s7 =	simm.s32 $0x0;
	[sflag:s29] =	ssyncadd.s32 $0xFFFFC000  }
0xf2: {  	v1 =	vld [tilespmem:s7+$0x1400]  }
0xf3: {  	s8 =	simm.s32 $0x40  }
.LBB2_23:
0xf4: {  	p0 =	sne.s32 s8, $0x7C0  }
.Ltmp10:
0xf5: {  	_ = 	snop;
	(pc) =	sbr.rel @p0 .LBB2_23-.Ltmp10, $4  }
0xf6: {  	_ = 	snop  }
0xf7: {  	s9 =	sshra.s32 s8, $0x2;
	s8 =	sadd.s32 $0x40, s8;
	v2 =	vsub.s32 v1, v0  }
0xf8: {  	v1 =	vld [tilespmem:s9+$0x1400];
	v2 =	vmin.u32 v2, $0x8000  }
0xf9: {  	[tilespmem:s7+$0x9C00] =	vst v2;
	s7 =	smov.u32 s9  }
0xfa: {  	_ =	sdelay $0x2  }
0xfb: {  	v1 =	vsub.s32 v1, v0  }
0xfc: {  	v1 =	vmin.u32 v1, $0x8000  }
0xfd: {  	[tilespmem:s7+$0x9C00] =	vst v1  }
0xfe: {  	[spmem:s2] =	stream.indirect.scatter.add.bf16 [tilespmem:s26], [sflag:$0x3], $0x20, s31, s30, $0xb8;
	[tilespmem:$0x1A010] =	vst v63  }
0xff: {  	_ =	swait.ge [sflag:s0], $0x4000  }
0x100: {  	[sflag:s0] =	ssyncset.done $0x0  }
0x101: {  	s9 =	simm.s32 $0x0;
	[sflag:s0] =	ssyncadd.s32 $0xFFFFC000  }
0x102: {  	[tilespmem:s26], [sflag:$0x1] =	stream.linear.gather [hbm4b:s20+s9], $0x4000, $0x38;
	[tilespmem:$0x1A010] =	vst v63  }
0x103: {  	_ =	swait.ge [sflag:s1], $0x4000  }
0x104: {  	[sflag:s1] =	ssyncset.done $0x0  }
0x105: {  	s7 =	simm.s32 $0x0;
	[sflag:s1] =	ssyncadd.s32 $0xFFFFC000  }
0x106: {  	v1 =	vld [tilespmem:s7+$0x1600]  }
0x107: {  	s8 =	simm.s32 $0x40  }
.LBB2_25:
0x108: {  	p0 =	sne.s32 s8, $0x7C0  }
.Ltmp11:
0x109: {  	_ = 	snop;
	(pc) =	sbr.rel @p0 .LBB2_25-.Ltmp11, $4  }
0x10a: {  	_ = 	snop  }
0x10b: {  	s9 =	sshra.s32 s8, $0x2;
	s8 =	sadd.s32 $0x40, s8;
	v2 =	vsub.s32 v1, v0  }
0x10c: {  	v1 =	vld [tilespmem:s9+$0x1600];
	v2 =	vmin.u32 v2, $0x8000  }
0x10d: {  	[tilespmem:s7+$0x9E00] =	vst v2;
	s7 =	smov.u32 s9  }
0x10e: {  	_ =	sdelay $0x2  }
0x10f: {  	v1 =	vsub.s32 v1, v0  }
0x110: {  	v1 =	vmin.u32 v1, $0x8000  }
0x111: {  	[tilespmem:s7+$0x9E00] =	vst v1  }
0x112: {  	[spmem:s2] =	stream.indirect.scatter.add.bf16 [tilespmem:s28], [sflag:$0x4], $0x20, s3, s30, $0xb8;
	[tilespmem:$0x1A010] =	vst v63  }
0x113: {  	_ =	swait.ge [sflag:s5], $0x4000  }
0x114: {  	[sflag:s5] =	ssyncset.done $0x0  }
0x115: {  	s9 =	simm.s32 $0x0;
	[sflag:s5] =	ssyncadd.s32 $0xFFFFC000  }
0x116: {  	[tilespmem:s28], [sflag:$0x2] =	stream.linear.gather [hbm4b:s21+s9], $0x4000, $0x38;
	[tilespmem:$0x1A010] =	vst v63  }
0x117: {  	_ =	swait.ge [sflag:s29], $0x4000  }
0x118: {  	[sflag:s29] =	ssyncset.done $0x0  }
0x119: {  	s7 =	simm.s32 $0x0;
	[sflag:s29] =	ssyncadd.s32 $0xFFFFC000  }
0x11a: {  	v1 =	vld [tilespmem:s7+$0x1800]  }
0x11b: {  	s8 =	simm.s32 $0x40  }
.LBB2_27:
0x11c: {  	p0 =	sne.s32 s8, $0x7C0  }
.Ltmp12:
0x11d: {  	_ = 	snop;
	(pc) =	sbr.rel @p0 .LBB2_27-.Ltmp12, $4  }
0x11e: {  	_ = 	snop  }
0x11f: {  	s9 =	sshra.s32 s8, $0x2;
	s8 =	sadd.s32 $0x40, s8;
	v2 =	vsub.s32 v1, v0  }
0x120: {  	v1 =	vld [tilespmem:s9+$0x1800];
	v2 =	vmin.u32 v2, $0x8000  }
0x121: {  	[tilespmem:s7+$0x9C00] =	vst v2;
	s7 =	smov.u32 s9  }
0x122: {  	_ =	sdelay $0x2  }
0x123: {  	v1 =	vsub.s32 v1, v0  }
0x124: {  	v1 =	vmin.u32 v1, $0x8000  }
0x125: {  	[tilespmem:s7+$0x9C00] =	vst v1  }
0x126: {  	[spmem:s2] =	stream.indirect.scatter.add.bf16 [tilespmem:s26], [sflag:$0x3], $0x20, s31, s30, $0xb8;
	[tilespmem:$0x1A010] =	vst v63  }
0x127: {  	_ =	swait.ge [sflag:s1], $0x4000  }
0x128: {  	[sflag:s1] =	ssyncset.done $0x0  }
0x129: {  	s7 =	simm.s32 $0x0;
	[sflag:s1] =	ssyncadd.s32 $0xFFFFC000  }
0x12a: {  	v1 =	vld [tilespmem:s7+$0x1A00]  }
0x12b: {  	s8 =	simm.s32 $0x40  }
.LBB2_29:
0x12c: {  	p0 =	sne.s32 s8, $0x7C0  }
.Ltmp13:
0x12d: {  	_ = 	snop;
	(pc) =	sbr.rel @p0 .LBB2_29-.Ltmp13, $4  }
0x12e: {  	_ = 	snop  }
0x12f: {  	s9 =	sshra.s32 s8, $0x2;
	s8 =	sadd.s32 $0x40, s8;
	v2 =	vsub.s32 v1, v0  }
0x130: {  	v1 =	vld [tilespmem:s9+$0x1A00];
	v2 =	vmin.u32 v2, $0x8000  }
0x131: {  	[tilespmem:s7+$0x9E00] =	vst v2;
	s7 =	smov.u32 s9  }
0x132: {  	_ =	sdelay $0x2  }
0x133: {  	v0 =	vsub.s32 v1, v0  }
0x134: {  	v0 =	vmin.u32 v0, $0x8000  }
0x135: {  	[tilespmem:s7+$0x9E00] =	vst v0  }
0x136: {  	[spmem:s2] =	stream.indirect.scatter.add.bf16 [tilespmem:s28], [sflag:$0x4], $0x20, s3, s30, $0xb8;
	[tilespmem:$0x1A010] =	vst v63  }
0x137: {  	_ =	swait.ge [sflag:s0], $0x4000  }
0x138: {  	[sflag:s0] =	ssyncset.done $0x0  }
0x139: {  	[sflag:s0] =	ssyncadd.s32 $0xFFFFC000  }
0x13a: {  	_ =	swait.ge [sflag:s5], $0x4000  }
0x13b: {  	[sflag:s5] =	ssyncset.done $0x0  }
0x13c: {  	s6 =	sshll.u32 s6, $0x2;
	s23 =	sadd.s32 $0x1, s23;
	[sflag:s5] =	ssyncadd.s32 $0xFFFFC000  }
0x13d: {  	s6 =	sadd.s32 s6, s22;
	p0 =	sne.s32 s23, $0x4;
	[bflag:$0x0] =	sbarrier.arrive $0xFFFF  }
0x13e: {  	[hbm:s6], [sflag:s25] =	dma.local [spmem:s4], $0x2000  }
.Ltmp14:
0x13f: {  	_ =	swait.ge [sflag:s24], $0x2000;
	(pc) =	sbr.rel @p0 .LBB2_2-.Ltmp14, $3  }
0x140: {  	[sflag:s24] =	ssyncset.done $0x0  }
0x141: {  	[sflag:s24] =	ssyncadd.s32 $0xFFFFE000  }
0x142: {  	[bflag:$0x0] =	sbarrier.arrive $0xFFFF;
	_ =	sdelay $0x1  }
0x143: {  	s6 =	rddreg [dreg:$0xb]  }
0x144: {  	s4 =	rddreg [dreg:$0xa];
	s6 =	sadd.s32 $0x1, s6  }
0x145: {  	p0 =	sne.s32 s6, s4  }
.Ltmp15:
0x146: {  	_ = 	snop;
	(pc) =	sbr.rel @p0 .LBB2_1-.Ltmp15, $1  }
0x147: {  	_ =	sdelay $0x3  }
0x148: {  	_ =	sfence.sel $0x180000  }
0x149: {  	[bflag:$0x0] =	sbarrier.arrive $0xFFFF  }
0x14a: {  	_ =	strace $0x90000047  }
0x14b: {  	s0 =	stileid.u32;
	[bflag:$0x2] =	sbarrier.arrive $0xFFFF  }
0x14c: {  	p0 =	sne.s32 s0, $0x0;
	s0 =	rddreg [dreg:$0x3]  }
0x14d: {  	s0 =	sadd.s32 @!p0 $0x100000, s0  }
0x14e: {  	[sflag:s0] =	ssyncadd.tile.s32 @!p0 $0x1;
	_ =	shalt  }
.Lfunc_end2:
_tile_overlayer_lowered:
.L_overlay_start_2:
0x14f: {  	(tag) =	ssettag $0x2  }
0x150: {  	s0 =	rddreg [dreg:$0x0];
	s2 =	stileid.u32  }
0x151: {  	s1 =	rddreg [dreg:$0x1];
	p0 =	sne.s32 s2, $0x0  }
0x152: {  	s3 =	rddreg [dreg:$0x2];
	[bflag:$0x3] =	sbarrier.arrive $0xFFFF;
	s2 =	simm.s32 @!p0 $0x1C05  }
0x153: {  	[timem:s3], [sflag:s2] =	dma.local @!p0 [hbm:s0], s1  }
0x154: {  	s0 =	simm.s32 @!p0 $0x5  }
0x155: {  	_ =	swait.ge @!p0 [sflag:s0], s1  }
0x156: {  	s1 =	ssub.s32 @!p0 $0x0, s1;
	[sflag:s0] =	ssyncset.done @!p0 $0x0  }
0x157: {  	[sflag:s0] =	ssyncadd.s32 @!p0 s1  }
0x158: {  	[bflag:$0x3] =	sbarrier.arrive $0xFFFF  }
0x159: {  	_ =	shalt  }

</sc_bundles>
